<compile_context>
chip_gen: v7x
topology: tpu7x:2x2x1
jax: 0.10.2.dev20260603
libtpu: 0.0.44.dev20260713+nightly
codegen_flags: <defaults>
</compile_context>

<pallas_src>
import jax
import jax.numpy as jnp
from jax import lax
from jax.experimental import pallas as pl
from jax.experimental.pallas import tpu as pltpu
from jax.experimental.pallas import tpu_sc as plsc

_B, _T, _D, _H, _DH = 1, 2048, 768, 12, 64
_V, _E, _EDIM, _K = 50304, 16, 512, 2
_TB = 256
_NTB = _T // _TB

_NC, _NS = 2, 16
_NW = _NC * _NS
_GCHUNK = 64

_BLK = 256
_NPAIR = _T * _K
_G = _NPAIR // _BLK + _E
_NP = _G * _BLK


def _row_gather(table, idx_flat, nrows):
    rpw = nrows // _NW
    nch = rpw // _GCHUNK

    def body(table_hbm, idx_hbm, out_hbm, idx_v, rows_v, sem):
        wid = lax.axis_index("s") * _NC + lax.axis_index("c")
        base = wid * rpw
        for c in range(nch):
            off = base + c * _GCHUNK
            pltpu.sync_copy(idx_hbm.at[pl.ds(off, _GCHUNK)], idx_v)
            pltpu.async_copy(table_hbm.at[idx_v], rows_v, sem).wait()
            pltpu.sync_copy(rows_v, out_hbm.at[pl.ds(off, _GCHUNK)])

    mesh = plsc.VectorSubcoreMesh(core_axis_name="c", subcore_axis_name="s")
    k = pl.kernel(
        body,
        mesh=mesh,
        out_type=jax.ShapeDtypeStruct((nrows, _D), jnp.float32),
        scratch_types=[
            pltpu.VMEM((_GCHUNK,), jnp.int32),
            pltpu.VMEM((_GCHUNK, _D), jnp.float32),
            pltpu.SemaphoreType.DMA,
        ],
    )
    return k(table, idx_flat)


def _recip(d):
    r = 1.0 / d
    r = r * (2.0 - d * r)
    r = r * (2.0 - d * r)
    return r


def _rsqrt_acc(v):
    r = lax.rsqrt(v)
    r = r * (1.5 - 0.5 * v * r * r)
    r = r * (1.5 - 0.5 * v * r * r)
    return r


def _ln(h, w, b):
    mu = jnp.mean(h, axis=-1, keepdims=True)
    var = jnp.mean((h - mu) ** 2, axis=-1, keepdims=True)
    return (h - mu) * lax.rsqrt(var + 1e-5) * w + b


def _gelu(x):
    return 0.5 * x * (1.0 + lax.erf(x * 0.7071067811865476))


def _split3(a):
    hi = a.astype(jnp.bfloat16)
    lo = (a - hi.astype(jnp.float32)).astype(jnp.bfloat16)
    return hi, lo


def _dot3(a, b, dims):
    ah, al = _split3(a)
    bh, bl = _split3(b)
    f = jnp.float32
    return (lax.dot_general(ah, bl, dims, preferred_element_type=f)
            + lax.dot_general(al, bh, dims, preferred_element_type=f)
            + lax.dot_general(ah, bh, dims, preferred_element_type=f))


def _rmant(x, m):
    u = lax.bitcast_convert_type(x, jnp.int32)
    s = 23 - m
    bias = (1 << (s - 1)) - 1
    u2 = u + bias + ((u >> s) & 1)
    u2 = u2 & ~((1 << s) - 1)
    return lax.bitcast_convert_type(u2, jnp.float32)


def _dot_tf32(a, b, dims, m=10):
    return lax.dot_general(_rmant(a, m), _rmant(b, m), dims,
                           precision=lax.Precision.HIGHEST,
                           preferred_element_type=jnp.float32)


_DT = (((1,), (1,)), ((), ()))
_DN = (((1,), (0,)), ((), ()))


def _dot_t(a, b):
    return lax.dot_general(a, b, (((1,), (1,)), ((), ())),
                           preferred_element_type=jnp.float32)


def _exp_acc(x):
    xc = jnp.maximum(x, -88.723164)
    m = jnp.floor(xc * 1.44269504088896341 + 0.5)
    r = m * (-0.693359375) + xc
    r = m * 2.12194440e-4 + r
    r2 = r * r
    p = 1.9875691500e-4
    p = p * r + 1.3981999507e-3
    p = p * r + 8.3334519073e-3
    p = p * r + 4.1665795894e-2
    p = p * r + 1.6666665459e-1
    p = p * r + 5.0000001201e-1
    p = p * r2 + r + 1.0
    mi = jnp.maximum(m, -126.0).astype(jnp.int32)
    sc = lax.bitcast_convert_type((mi + 127) << 23, jnp.float32)
    return jnp.where(x < -87.0, 0.0, p * sc)


def _preattn_body(emb_ref, pos_ref, w1_ref, b1_ref, wattn_ref, x_ref, qkv_ref):
    x = emb_ref[...] + pos_ref[...]
    x_ref[...] = x
    h = _ln(x, w1_ref[...], b1_ref[...])
    qkv_ref[...] = _dot_t(h, wattn_ref[...])


def _attn_body(qkv_ref, y_ref):
    i = pl.program_id(0)
    scale = 1.0 / jnp.sqrt(jnp.float32(_DH))
    rows = i * _TB + lax.broadcasted_iota(jnp.int32, (_TB, _T), 0)
    cols = lax.broadcasted_iota(jnp.int32, (_TB, _T), 1)
    mask = cols <= rows
    neg = jnp.finfo(jnp.float32).min
    for h in range(_H):
        q = qkv_ref[pl.ds(i * _TB, _TB), h * _DH:(h + 1) * _DH]
        kk = qkv_ref[:, _D + h * _DH:_D + (h + 1) * _DH]
        v = qkv_ref[:, 2 * _D + h * _DH:2 * _D + (h + 1) * _DH]
        s = _dot_t(q, kk) * scale
        s = jnp.where(mask, s, neg)
        m = jnp.max(s, axis=-1, keepdims=True)
        p = jnp.exp(s - m)
        p = p / jnp.sum(p, axis=-1, keepdims=True)
        y_ref[:, h * _DH:(h + 1) * _DH] = lax.dot_general(
            p, v, _DN, preferred_element_type=jnp.float32)


def _postattn_body(y_ref, x_ref, w2_ref, b2_ref, wproj_ref, wshup_ref,
                   wshdn_ref, wrout_ref, h2_ref, base_ref, gate_ref):
    x = x_ref[...]
    attn = _dot_t(y_ref[...], wproj_ref[...]) + x
    h2 = _ln(attn, w2_ref[...], b2_ref[...])
    h2_ref[...] = h2
    up = _dot_t(h2, wshup_ref[...])
    shared = _dot_t(_gelu(up), wshdn_ref[...])
    base_ref[...] = shared + x
    logits = _dot_t(h2, wrout_ref[...])
    lm = jnp.max(logits, axis=-1, keepdims=True)
    pe = jnp.exp(logits - lm)
    probs = pe / jnp.sum(pe, axis=-1, keepdims=True)
    col = lax.broadcasted_iota(jnp.int32, (_TB, _E), 1)
    m1 = jnp.max(probs, axis=-1, keepdims=True)
    i1 = jnp.min(jnp.where(probs == m1, col, _E), axis=-1, keepdims=True)
    p2 = jnp.where(col == i1, -1.0, probs)
    m2 = jnp.max(p2, axis=-1, keepdims=True)
    i2 = jnp.min(jnp.where((probs == m2) & (col != i1), col, _E),
                 axis=-1, keepdims=True)
    gate_ref[...] = jnp.where((col == i1) | (col == i2), probs, 0.0)


def _moe_body(h2_ref, base_ref, gate_ref, wup_ref, wdn_ref, out_ref):
    e = pl.program_id(0)

    @pl.when(e == 0)
    def _():
        out_ref[...] = base_ref[...]

    emask = (lax.broadcasted_iota(jnp.int32, (1, _E), 1) == e).astype(jnp.float32)
    gcol = jnp.sum(gate_ref[...] * emask, axis=1, keepdims=True)
    up = _dot_t(h2_ref[...], wup_ref[0])
    dn = _dot_t(_gelu(up), wdn_ref[0])
    out_ref[...] += dn * gcol


def kernel(idx, token_emb, pos_emb, ln1_w, ln1_b, ln2_w, ln2_b, W_attn,
           W_proj, W_router, W_sh_up, W_sh_down, W_up, W_down):
    idx_flat = idx.reshape(_T).astype(jnp.int32)
    emb = _row_gather(token_emb, idx_flat, _T)

    x, qkv = pl.pallas_call(
        _preattn_body,
        grid=(_NTB,),
        in_specs=[
            pl.BlockSpec((_TB, _D), lambda i: (i, 0)),
            pl.BlockSpec((_TB, _D), lambda i: (i, 0)),
            pl.BlockSpec((1, _D), lambda i: (0, 0)),
            pl.BlockSpec((1, _D), lambda i: (0, 0)),
            pl.BlockSpec((3 * _D, _D), lambda i: (0, 0)),
        ],
        out_specs=[
            pl.BlockSpec((_TB, _D), lambda i: (i, 0)),
            pl.BlockSpec((_TB, 3 * _D), lambda i: (i, 0)),
        ],
        out_shape=[
            jax.ShapeDtypeStruct((_T, _D), jnp.float32),
            jax.ShapeDtypeStruct((_T, 3 * _D), jnp.float32),
        ],
    )(emb, pos_emb, ln1_w.reshape(1, _D), ln1_b.reshape(1, _D), W_attn)

    y = pl.pallas_call(
        _attn_body,
        grid=(_NTB,),
        in_specs=[pl.BlockSpec((_T, 3 * _D), lambda i: (0, 0))],
        out_specs=pl.BlockSpec((_TB, _D), lambda i: (i, 0)),
        out_shape=jax.ShapeDtypeStruct((_T, _D), jnp.float32),
    )(qkv)

    h2, base, gate = pl.pallas_call(
        _postattn_body,
        grid=(_NTB,),
        in_specs=[
            pl.BlockSpec((_TB, _D), lambda i: (i, 0)),
            pl.BlockSpec((_TB, _D), lambda i: (i, 0)),
            pl.BlockSpec((1, _D), lambda i: (0, 0)),
            pl.BlockSpec((1, _D), lambda i: (0, 0)),
            pl.BlockSpec((_D, _D), lambda i: (0, 0)),
            pl.BlockSpec((_EDIM, _D), lambda i: (0, 0)),
            pl.BlockSpec((_D, _EDIM), lambda i: (0, 0)),
            pl.BlockSpec((_E, _D), lambda i: (0, 0)),
        ],
        out_specs=[
            pl.BlockSpec((_TB, _D), lambda i: (i, 0)),
            pl.BlockSpec((_TB, _D), lambda i: (i, 0)),
            pl.BlockSpec((_TB, _E), lambda i: (i, 0)),
        ],
        out_shape=[
            jax.ShapeDtypeStruct((_T, _D), jnp.float32),
            jax.ShapeDtypeStruct((_T, _D), jnp.float32),
            jax.ShapeDtypeStruct((_T, _E), jnp.float32),
        ],
    )(y, x, ln2_w.reshape(1, _D), ln2_b.reshape(1, _D), W_proj, W_sh_up,
      W_sh_down, W_router)

    out = pl.pallas_call(
        _moe_body,
        grid=(_E,),
        in_specs=[
            pl.BlockSpec((_T, _D), lambda e: (0, 0)),
            pl.BlockSpec((_T, _D), lambda e: (0, 0)),
            pl.BlockSpec((_T, _E), lambda e: (0, 0)),
            pl.BlockSpec((1, _EDIM, _D), lambda e: (e, 0, 0)),
            pl.BlockSpec((1, _D, _EDIM), lambda e: (e, 0, 0)),
        ],
        out_specs=pl.BlockSpec((_T, _D), lambda e: (0, 0)),
        out_shape=jax.ShapeDtypeStruct((_T, _D), jnp.float32),
        compiler_params=pltpu.CompilerParams(
            dimension_semantics=("arbitrary",)),
    )(h2, base, gate, W_up, W_down)

    return out.reshape(_B, _T, _D)

# --- scband reference (transcript-rebuilt; emitter-appended) ---
"""Pipeline reference for scband-nano-deep-seek-44590350467671 (READ-ONLY COPY).

The authoritative reference and input builder live on the scoring server;
editing this copy changes nothing except your own understanding.
"""

import jax, jax.numpy as jnp
import numpy as np

B, T, D, H, DH = 1, 2048, 768, 12, 64
V, E, EDIM, K = 50304, 16, 512, 2


def setup_inputs(seed: int = 0):
    key = jax.random.key(seed)
    ks = jax.random.split(key, 12)
    s = 0.02
    inp = {}
    inp['idx'] = jax.random.randint(ks[0], (B, T), 0, V)
    inp['token_emb'] = jax.random.normal(ks[1], (V, D), jnp.float32) * s
    inp['pos_emb'] = jax.random.normal(ks[2], (T, D), jnp.float32) * s
    inp['ln1_w'] = jnp.ones((D,), jnp.float32)
    inp['ln1_b'] = jnp.zeros((D,), jnp.float32)
    inp['ln2_w'] = jnp.ones((D,), jnp.float32)
    inp['ln2_b'] = jnp.zeros((D,), jnp.float32)
    inp['W_attn'] = jax.random.normal(ks[3], (3 * D, D), jnp.float32) * s
    inp['W_proj'] = jax.random.normal(ks[4], (D, D), jnp.float32) * s
    inp['W_router'] = jax.random.normal(ks[5], (E, D), jnp.float32) * s
    inp['W_sh_up'] = jax.random.normal(ks[6], (EDIM, D), jnp.float32) * s
    inp['W_sh_down'] = jax.random.normal(ks[7], (D, EDIM), jnp.float32) * s
    inp['W_up'] = jax.random.normal(ks[8], (E, EDIM, D), jnp.float32) * s
    inp['W_down'] = jax.random.normal(ks[9], (E, D, EDIM), jnp.float32) * s
    return inp


def _layernorm(h, w, b):
    mu = jnp.mean(h, axis=-1, keepdims=True)
    var = jnp.var(h, axis=-1, keepdims=True)
    return (h - mu) / jnp.sqrt(var + 1e-5) * w + b


def _block(x, ln1_w, ln1_b, ln2_w, ln2_b, W_attn, W_proj, W_router, W_sh_up, W_sh_down, W_up, W_down):
    # attention (eval mode -> no dropout), no RoPE (use_rope=False)
    h = _layernorm(x, ln1_w, ln1_b)
    qkv = h @ W_attn.T
    q, k, v = jnp.split(qkv, 3, axis=-1)
    q = q.reshape(B, T, H, DH).transpose(0, 2, 1, 3)
    k = k.reshape(B, T, H, DH).transpose(0, 2, 1, 3)
    v = v.reshape(B, T, H, DH).transpose(0, 2, 1, 3)
    att = (q @ k.transpose(0, 1, 3, 2)) * (1.0 / jnp.sqrt(jnp.float32(DH)))
    mask = jnp.tril(jnp.ones((T, T), dtype=bool))
    att = jnp.where(mask[None, None, :, :], att, jnp.finfo(jnp.float32).min)
    att = jax.nn.softmax(att, axis=-1)
    y = (att @ v).transpose(0, 2, 1, 3).reshape(B, T, D)
    y = y @ W_proj.T
    attn = y + x
    # MoE with shared expert isolation + fine-grained routed experts
    h2 = _layernorm(attn, ln2_w, ln2_b)
    xf = h2.reshape(B * T, D)
    shared = jax.nn.gelu(xf @ W_sh_up.T, approximate=False) @ W_sh_down.T
    probs = jax.nn.softmax(xf @ W_router.T, axis=-1)
    topp, topi = jax.lax.top_k(probs, K)
    up = jnp.einsum('td,ced->tce', xf, W_up)
    dn = jnp.einsum('tce,cde->tcd', jax.nn.gelu(up, approximate=False), W_down)
    routed = jnp.zeros_like(xf)
    for kk in range(K):
        sel = jnp.take_along_axis(dn, topi[:, kk][:, None, None], axis=1)[:, 0, :]
        routed = routed + sel * topp[:, kk][:, None]
    moe = (shared + routed).reshape(B, T, D)
    # NOTE: faithful to torch code, the final residual adds the block INPUT x (not attn)
    return moe + x


def reference(idx, token_emb, pos_emb, ln1_w, ln1_b, ln2_w, ln2_b, W_attn, W_proj, W_router, W_sh_up, W_sh_down, W_up, W_down):
    x = token_emb[idx] + pos_emb[jnp.arange(T)][None, :, :]
    x = _block(x, ln1_w, ln1_b, ln2_w, ln2_b, W_attn, W_proj, W_router, W_sh_up, W_sh_down, W_up, W_down)
    return x

if __name__ == "__main__":
    import jax
    _d = setup_inputs()
    print(jax.jit(kernel)(*tuple(_d.values())))

</pallas_src>

<mosaic_0001>
#map = affine_map<(d0, d1) -> (0, 0)>
#map1 = affine_map<(d0, d1) -> (0)>
module attributes {stable_mosaic.version = 14 : i64} {
  func.func @body(%arg0: i32, %arg1: i32, %arg2: memref<50304x768xf32, #tpu.memory_space<hbm>>, %arg3: memref<2048xi32, #tpu.memory_space<hbm>>, %arg4: memref<2048x768xf32, #tpu.memory_space<hbm>>, %arg5: memref<64xi32, #tpu.memory_space<vmem>>, %arg6: memref<64x768xf32, #tpu.memory_space<vmem>>, %arg7: memref<!tpu.dma_semaphore, #tpu.memory_space<semaphore_mem>>) attributes {dimension_semantics = [#tpu.dimension_semantics<core_parallel>, #tpu.dimension_semantics<subcore_parallel>], iteration_bounds = array<i64: 2, 16>, scalar_prefetch = 0 : i64, scratch_operands = 3 : i64, tpu.core_type = #tpu.core_type<sc_vector_subcore>, window_params = [{transform_indices = #map}, {transform_indices = #map1}, {transform_indices = #map}]} {
    %mul3A = arith.constant 2 : i32
    %mul3A_0 = arith.muli %arg1, %mul3A : i32
    %add3A = arith.addi %mul3A_0, %arg0 : i32
    %mul3A_1 = arith.constant 64 : i32
    %mul3A_2 = arith.muli %add3A, %mul3A_1 : i32
    %add3A_3 = arith.constant 0 : i32
    %add3A_4 = arith.addi %mul3A_2, %add3A_3 : i32
    "tpu.region"() ({
      %run_scoped3A = tpu.sem_alloc : memref<!tpu.dma_semaphore, #tpu.memory_space<semaphore_mem>>
      %dma_start3A_9 = tpu.memref_slice %arg3[%add3A_4] : memref<2048xi32, #tpu.memory_space<hbm>> -> memref<64xi32, #tpu.memory_space<hbm>>
      %dma_start3A_10 = tpu.memref_slice %arg3[%add3A_4] : memref<2048xi32, #tpu.memory_space<hbm>> -> memref<64xi32, #tpu.memory_space<hbm>>
      tpu.enqueue_dma source(%dma_start3A_10 : memref<64xi32, #tpu.memory_space<hbm>>) target(%arg5 : memref<64xi32, #tpu.memory_space<vmem>>) target_semaphore(%run_scoped3A : memref<!tpu.dma_semaphore, #tpu.memory_space<semaphore_mem>>)
      %dma_wait3A_11 = tpu.memref_slice %arg3[%add3A_4] : memref<2048xi32, #tpu.memory_space<hbm>> -> memref<64xi32, #tpu.memory_space<hbm>>
      %dma_wait3A_12 = tpu.memref_slice %arg3[%add3A_4] : memref<2048xi32, #tpu.memory_space<hbm>> -> memref<64xi32, #tpu.memory_space<hbm>>
      tpu.wait_dma2 semaphore(%run_scoped3A : memref<!tpu.dma_semaphore, #tpu.memory_space<semaphore_mem>>) src(%dma_wait3A_12 : memref<64xi32, #tpu.memory_space<hbm>>) dst(%arg5 : memref<64xi32, #tpu.memory_space<vmem>>)
      tpu.yield
    }) : () -> ()
    %dma_start3A = arith.constant 0 : i32
    %dma_start3A_5 = arith.constant 0 : i32
    %dma_start3A_6 = tpu.memref_slice %arg2[%dma_start3A, %dma_start3A_5] : memref<50304x768xf32, #tpu.memory_space<hbm>> -> memref<50304x768xf32, #tpu.memory_space<hbm>>
    tpu.enqueue_indirect_dma source(%dma_start3A_6 : memref<50304x768xf32, #tpu.memory_space<hbm>>) target(%arg6 : memref<64x768xf32, #tpu.memory_space<vmem>>) offsets(%arg5 : memref<64xi32, #tpu.memory_space<vmem>>) semaphore(%arg7 : memref<!tpu.dma_semaphore, #tpu.memory_space<semaphore_mem>>)
    %dma_wait3A = arith.constant 0 : i32
    %dma_wait3A_7 = arith.constant 0 : i32
    %dma_wait3A_8 = tpu.memref_slice %arg2[%dma_wait3A, %dma_wait3A_7] : memref<50304x768xf32, #tpu.memory_space<hbm>> -> memref<50304x768xf32, #tpu.memory_space<hbm>>
    tpu.wait_indirect_dma semaphore(%arg7 : memref<!tpu.dma_semaphore, #tpu.memory_space<semaphore_mem>>) src(%dma_wait3A_8 : memref<50304x768xf32, #tpu.memory_space<hbm>>) dst(%arg6 : memref<64x768xf32, #tpu.memory_space<vmem>>)
    "tpu.region"() ({
      %run_scoped3A = tpu.sem_alloc : memref<!tpu.dma_semaphore, #tpu.memory_space<semaphore_mem>>
      %dma_start3A_9 = arith.constant 0 : i32
      %dma_start3A_10 = tpu.memref_slice %arg4[%add3A_4, %dma_start3A_9] : memref<2048x768xf32, #tpu.memory_space<hbm>> -> memref<64x768xf32, #tpu.memory_space<hbm>>
      %dma_start3A_11 = arith.constant 0 : i32
      %dma_start3A_12 = tpu.memref_slice %arg4[%add3A_4, %dma_start3A_11] : memref<2048x768xf32, #tpu.memory_space<hbm>> -> memref<64x768xf32, #tpu.memory_space<hbm>>
      tpu.enqueue_dma source(%arg6 : memref<64x768xf32, #tpu.memory_space<vmem>>) target(%dma_start3A_12 : memref<64x768xf32, #tpu.memory_space<hbm>>) target_semaphore(%run_scoped3A : memref<!tpu.dma_semaphore, #tpu.memory_space<semaphore_mem>>)
      %dma_wait3A_13 = arith.constant 0 : i32
      %dma_wait3A_14 = tpu.memref_slice %arg4[%add3A_4, %dma_wait3A_13] : memref<2048x768xf32, #tpu.memory_space<hbm>> -> memref<64x768xf32, #tpu.memory_space<hbm>>
      %dma_wait3A_15 = arith.constant 0 : i32
      %dma_wait3A_16 = tpu.memref_slice %arg4[%add3A_4, %dma_wait3A_15] : memref<2048x768xf32, #tpu.memory_space<hbm>> -> memref<64x768xf32, #tpu.memory_space<hbm>>
      tpu.wait_dma2 semaphore(%run_scoped3A : memref<!tpu.dma_semaphore, #tpu.memory_space<semaphore_mem>>) src(%arg6 : memref<64x768xf32, #tpu.memory_space<vmem>>) dst(%dma_wait3A_16 : memref<64x768xf32, #tpu.memory_space<hbm>>)
      tpu.yield
    }) : () -> ()
    return
  }
}

module attributes {stable_mosaic.version = 14 : i64} {
  func.func @_preattn_body(%arg0: i32, %arg1: memref<256x768xf32, #tpu.memory_space<vmem>>, %arg2: memref<256x768xf32, #tpu.memory_space<vmem>>, %arg3: memref<1x768xf32, #tpu.memory_space<vmem>>, %arg4: memref<1x768xf32, #tpu.memory_space<vmem>>, %arg5: memref<2304x768xf32, #tpu.memory_space<vmem>>, %arg6: memref<256x768xf32, #tpu.memory_space<vmem>>, %arg7: memref<256x2304xf32, #tpu.memory_space<vmem>>) attributes {dimension_semantics = [#tpu.dimension_semantics<arbitrary>], iteration_bounds = array<i64: 8>, scalar_prefetch = 0 : i64, scratch_operands = 0 : i64, tpu.core_type = #tpu.core_type<tc>, window_params = [{transform_indices = @transform_0, window_bounds = array<i64: 256, 768>}, {transform_indices = @transform_1, window_bounds = array<i64: 256, 768>}, {pipeline_mode = #tpu.pipeline_mode<synchronous>, transform_indices = @transform_2, window_bounds = array<i64: 1, 768>}, {pipeline_mode = #tpu.pipeline_mode<synchronous>, transform_indices = @transform_3, window_bounds = array<i64: 1, 768>}, {pipeline_mode = #tpu.pipeline_mode<synchronous>, transform_indices = @transform_4, window_bounds = array<i64: 2304, 768>}, {transform_indices = @transform_5, window_bounds = array<i64: 256, 768>}, {transform_indices = @transform_6, window_bounds = array<i64: 256, 2304>}]} {
    %get3A = arith.constant 0 : index
    %get3A_0 = arith.constant 0 : index
    %get3A_1 = vector.load %arg1[%get3A, %get3A_0] : memref<256x768xf32, #tpu.memory_space<vmem>>, vector<256x768xf32>
    %get3A_2 = arith.constant 0 : index
    %get3A_3 = arith.constant 0 : index
    %get3A_4 = vector.load %arg2[%get3A_2, %get3A_3] : memref<256x768xf32, #tpu.memory_space<vmem>>, vector<256x768xf32>
    %add3A = arith.addf %get3A_1, %get3A_4 : vector<256x768xf32>
    %swap3A = arith.constant 0 : index
    %swap3A_5 = arith.constant 0 : index
    %swap3A_6 = vector.load %arg6[%swap3A, %swap3A_5] : memref<256x768xf32, #tpu.memory_space<vmem>>, vector<256x768xf32>
    tpu.vector_store %arg6[%swap3A, %swap3A_5], %add3A {strides = array<i32>} : memref<256x768xf32, #tpu.memory_space<vmem>>, vector<256x768xf32>,
    %get3A_7 = arith.constant 0 : index
    %get3A_8 = arith.constant 0 : index
    %get3A_9 = vector.load %arg3[%get3A_7, %get3A_8] : memref<1x768xf32, #tpu.memory_space<vmem>>, vector<1x768xf32>
    %get3A_10 = arith.constant 0 : index
    %get3A_11 = arith.constant 0 : index
    %get3A_12 = vector.load %arg4[%get3A_10, %get3A_11] : memref<1x768xf32, #tpu.memory_space<vmem>>, vector<1x768xf32>
    %reduce_sum3A = arith.constant dense<0.000000e+00> : vector<256xf32>
    %reduce_sum3A_13 = vector.multi_reduction <add>, %add3A, %reduce_sum3A [1] : vector<256x768xf32> to vector<256xf32>
    %broadcast_in_dim3A = vector.shape_cast %reduce_sum3A_13 : vector<256xf32> to vector<256x1xf32>
    %div3A = arith.constant 7.680000e+02 : f32
    %div3A_14 = vector.broadcast %div3A : f32 to vector<256x1xf32>
    %div3A_15 = arith.divf %broadcast_in_dim3A, %div3A_14 : vector<256x1xf32>
    %sub3A = vector.broadcast %div3A_15 : vector<256x1xf32> to vector<256x768xf32>
    %sub3A_16 = arith.subf %add3A, %sub3A : vector<256x768xf32>
    %integer_pow3A = arith.mulf %sub3A_16, %sub3A_16 : vector<256x768xf32>
    %reduce_sum3A_17 = arith.constant dense<0.000000e+00> : vector<256xf32>
    %reduce_sum3A_18 = vector.multi_reduction <add>, %integer_pow3A, %reduce_sum3A_17 [1] : vector<256x768xf32> to vector<256xf32>
    %broadcast_in_dim3A_19 = vector.shape_cast %reduce_sum3A_18 : vector<256xf32> to vector<256x1xf32>
    %div3A_20 = arith.constant 7.680000e+02 : f32
    %div3A_21 = vector.broadcast %div3A_20 : f32 to vector<256x1xf32>
    %div3A_22 = arith.divf %broadcast_in_dim3A_19, %div3A_21 : vector<256x1xf32>
    %sub3A_23 = vector.broadcast %div3A_15 : vector<256x1xf32> to vector<256x768xf32>
    %sub3A_24 = arith.subf %add3A, %sub3A_23 : vector<256x768xf32>
    %add3A_25 = arith.constant 9.99999974E-6 : f32
    %add3A_26 = vector.broadcast %add3A_25 : f32 to vector<256x1xf32>
    %add3A_27 = arith.addf %div3A_22, %add3A_26 : vector<256x1xf32>
    %rsqrt3A = math.rsqrt %add3A_27 : vector<256x1xf32>
    %mul3A = vector.broadcast %rsqrt3A : vector<256x1xf32> to vector<256x768xf32>
    %mul3A_28 = arith.mulf %sub3A_24, %mul3A : vector<256x768xf32>
    %mul3A_29 = vector.broadcast %get3A_9 : vector<1x768xf32> to vector<256x768xf32>
    %mul3A_30 = arith.mulf %mul3A_28, %mul3A_29 : vector<256x768xf32>
    %add3A_31 = vector.broadcast %get3A_12 : vector<1x768xf32> to vector<256x768xf32>
    %add3A_32 = arith.addf %mul3A_30, %add3A_31 : vector<256x768xf32>
    %get3A_33 = arith.constant 0 : index
    %get3A_34 = arith.constant 0 : index
    %get3A_35 = vector.load %arg5[%get3A_33, %get3A_34] : memref<2304x768xf32, #tpu.memory_space<vmem>>, vector<2304x768xf32>
    %dot_general3A = arith.constant dense<0.000000e+00> : vector<256x2304xf32>
    %dot_general3A_36 = tpu.matmul %add3A_32, %get3A_35, %dot_general3A {dimension_numbers = #tpu.dot_dimension_numbers<[1], [1], [0], [0], [0, 0, 1, 0], [], []>, transpose_lhs_hint = false} : vector<256x768xf32>, vector<2304x768xf32>, vector<256x2304xf32> -> vector<256x2304xf32>
    %swap3A_37 = arith.constant 0 : index
    %swap3A_38 = arith.constant 0 : index
    %swap3A_39 = vector.load %arg7[%swap3A_37, %swap3A_38] : memref<256x2304xf32, #tpu.memory_space<vmem>>, vector<256x2304xf32>
    tpu.vector_store %arg7[%swap3A_37, %swap3A_38], %dot_general3A_36 {strides = array<i32>} : memref<256x2304xf32, #tpu.memory_space<vmem>>, vector<256x2304xf32>,
    return
  }
  func.func @transform_0(%arg0: i32) -> (i32, i32) {
    %c0_i32 = arith.constant 0 : i32
    %c0_i32_0 = arith.constant 0 : i32
    return %arg0, %c0_i32 : i32, i32
  }
  func.func @transform_1(%arg0: i32) -> (i32, i32) {
    %c0_i32 = arith.constant 0 : i32
    %c0_i32_0 = arith.constant 0 : i32
    return %arg0, %c0_i32 : i32, i32
  }
  func.func @transform_2(%arg0: i32) -> (i32, i32) {
    %c0_i32 = arith.constant 0 : i32
    %c0_i32_0 = arith.constant 0 : i32
    %c0_i32_1 = arith.constant 0 : i32
    return %c0_i32, %c0_i32_0 : i32, i32
  }
  func.func @transform_3(%arg0: i32) -> (i32, i32) {
    %c0_i32 = arith.constant 0 : i32
    %c0_i32_0 = arith.constant 0 : i32
    %c0_i32_1 = arith.constant 0 : i32
    return %c0_i32, %c0_i32_0 : i32, i32
  }
  func.func @transform_4(%arg0: i32) -> (i32, i32) {
    %c0_i32 = arith.constant 0 : i32
    %c0_i32_0 = arith.constant 0 : i32
    %c0_i32_1 = arith.constant 0 : i32
    return %c0_i32, %c0_i32_0 : i32, i32
  }
  func.func @transform_5(%arg0: i32) -> (i32, i32) {
    %c0_i32 = arith.constant 0 : i32
    %c0_i32_0 = arith.constant 0 : i32
    return %arg0, %c0_i32 : i32, i32
  }
  func.func @transform_6(%arg0: i32) -> (i32, i32) {
    %c0_i32 = arith.constant 0 : i32
    %c0_i32_0 = arith.constant 0 : i32
    return %arg0, %c0_i32 : i32, i32
  }
}

module attributes {stable_mosaic.version = 14 : i64} {
  func.func @_attn_body(%arg0: i32, %arg1: memref<2048x2304xf32, #tpu.memory_space<vmem>>, %arg2: memref<256x768xf32, #tpu.memory_space<vmem>>) attributes {dimension_semantics = [#tpu.dimension_semantics<arbitrary>], iteration_bounds = array<i64: 8>, scalar_prefetch = 0 : i64, scratch_operands = 0 : i64, tpu.core_type = #tpu.core_type<tc>, window_params = [{pipeline_mode = #tpu.pipeline_mode<synchronous>, transform_indices = @transform_0, window_bounds = array<i64: 2048, 2304>}, {transform_indices = @transform_1, window_bounds = array<i64: 256, 768>}]} {
    %sqrt3A = arith.constant 6.400000e+01 : f32
    %sqrt3A_0 = math.sqrt %sqrt3A : f32
    %div3A = arith.constant 1.000000e+00 : f32
    %div3A_1 = arith.divf %div3A, %sqrt3A_0 : f32
    %mul3A = arith.constant 256 : i32
    %mul3A_2 = arith.muli %arg0, %mul3A : i32
    %iota3A = tpu.iota {dimensions = array<i32: 0>} : vector<256x2048xi32>
    %add3A = vector.broadcast %mul3A_2 : i32 to vector<256x2048xi32>
    %add3A_3 = arith.addi %add3A, %iota3A : vector<256x2048xi32>
    %iota3A_4 = tpu.iota {dimensions = array<i32: 1>} : vector<256x2048xi32>
    %le3A = arith.cmpi sle, %iota3A_4, %add3A_3 : vector<256x2048xi32>
    %mul3A_5 = arith.constant 256 : i32
    %mul3A_6 = arith.muli %arg0, %mul3A_5 : i32
    %get3A = arith.index_cast %mul3A_6 : i32 to index
    %get3A_7 = arith.constant 0 : index
    %get3A_8 = vector.load %arg1[%get3A, %get3A_7] : memref<2048x2304xf32, #tpu.memory_space<vmem>>, vector<256x64xf32>
    %get3A_9 = arith.constant 0 : index
    %get3A_10 = arith.constant 768 : index
    %get3A_11 = vector.load %arg1[%get3A_9, %get3A_10] : memref<2048x2304xf32, #tpu.memory_space<vmem>>, vector<2048x64xf32>
    %get3A_12 = arith.constant 0 : index
    %get3A_13 = arith.constant 1536 : index
    %get3A_14 = vector.load %arg1[%get3A_12, %get3A_13] : memref<2048x2304xf32, #tpu.memory_space<vmem>>, vector<2048x64xf32>
    %dot_general3A = arith.constant dense<0.000000e+00> : vector<256x2048xf32>
    %dot_general3A_15 = tpu.matmul %get3A_8, %get3A_11, %dot_general3A {dimension_numbers = #tpu.dot_dimension_numbers<[1], [1], [0], [0], [0, 0, 1, 0], [], []>, transpose_lhs_hint = false} : vector<256x64xf32>, vector<2048x64xf32>, vector<256x2048xf32> -> vector<256x2048xf32>
    %mul3A_16 = vector.broadcast %div3A_1 : f32 to vector<256x2048xf32>
    %mul3A_17 = arith.mulf %dot_general3A_15, %mul3A_16 : vector<256x2048xf32>
    %jit3A = arith.constant -3.40282347E+38 : f32
    %broadcast_in_dim3A = vector.broadcast %jit3A : f32 to vector<256x2048xf32>
    %select_n3A = arith.select %le3A, %mul3A_17, %broadcast_in_dim3A : vector<256x2048xi1>, vector<256x2048xf32>
    %reduce_max3A = arith.constant dense<0xFF800000> : vector<256xf32>
    %reduce_max3A_18 = vector.multi_reduction <maximumf>, %select_n3A, %reduce_max3A [1] : vector<256x2048xf32> to vector<256xf32>
    %broadcast_in_dim3A_19 = vector.shape_cast %reduce_max3A_18 : vector<256xf32> to vector<256x1xf32>
    %sub3A = vector.broadcast %broadcast_in_dim3A_19 : vector<256x1xf32> to vector<256x2048xf32>
    %sub3A_20 = arith.subf %select_n3A, %sub3A : vector<256x2048xf32>
    %exp3A = math.exp %sub3A_20 : vector<256x2048xf32>
    %reduce_sum3A = arith.constant dense<0.000000e+00> : vector<256xf32>
    %reduce_sum3A_21 = vector.multi_reduction <add>, %exp3A, %reduce_sum3A [1] : vector<256x2048xf32> to vector<256xf32>
    %broadcast_in_dim3A_22 = vector.shape_cast %reduce_sum3A_21 : vector<256xf32> to vector<256x1xf32>
    %div3A_23 = vector.broadcast %broadcast_in_dim3A_22 : vector<256x1xf32> to vector<256x2048xf32>
    %div3A_24 = arith.divf %exp3A, %div3A_23 : vector<256x2048xf32>
    %dot_general3A_25 = arith.constant dense<0.000000e+00> : vector<256x64xf32>
    %dot_general3A_26 = tpu.matmul %div3A_24, %get3A_14, %dot_general3A_25 {dimension_numbers = #tpu.dot_dimension_numbers<[1], [0], [0], [1], [0, 0, 1, 1], [], []>, transpose_lhs_hint = false} : vector<256x2048xf32>, vector<2048x64xf32>, vector<256x64xf32> -> vector<256x64xf32>
    %swap3A = arith.constant 0 : index
    %swap3A_27 = arith.constant 0 : index
    %swap3A_28 = vector.load %arg2[%swap3A, %swap3A_27] : memref<256x768xf32, #tpu.memory_space<vmem>>, vector<256x64xf32>
    tpu.vector_store %arg2[%swap3A, %swap3A_27], %dot_general3A_26 {strides = array<i32>} : memref<256x768xf32, #tpu.memory_space<vmem>>, vector<256x64xf32>,
    %mul3A_29 = arith.constant 256 : i32
    %mul3A_30 = arith.muli %arg0, %mul3A_29 : i32
    %get3A_31 = arith.index_cast %mul3A_30 : i32 to index
    %get3A_32 = arith.constant 64 : index
    %get3A_33 = vector.load %arg1[%get3A_31, %get3A_32] : memref<2048x2304xf32, #tpu.memory_space<vmem>>, vector<256x64xf32>
    %get3A_34 = arith.constant 0 : index
    %get3A_35 = arith.constant 832 : index
    %get3A_36 = vector.load %arg1[%get3A_34, %get3A_35] : memref<2048x2304xf32, #tpu.memory_space<vmem>>, vector<2048x64xf32>
    %get3A_37 = arith.constant 0 : index
    %get3A_38 = arith.constant 1600 : index
    %get3A_39 = vector.load %arg1[%get3A_37, %get3A_38] : memref<2048x2304xf32, #tpu.memory_space<vmem>>, vector<2048x64xf32>
    %dot_general3A_40 = arith.constant dense<0.000000e+00> : vector<256x2048xf32>
    %dot_general3A_41 = tpu.matmul %get3A_33, %get3A_36, %dot_general3A_40 {dimension_numbers = #tpu.dot_dimension_numbers<[1], [1], [0], [0], [0, 0, 1, 0], [], []>, transpose_lhs_hint = false} : vector<256x64xf32>, vector<2048x64xf32>, vector<256x2048xf32> -> vector<256x2048xf32>
    %mul3A_42 = vector.broadcast %div3A_1 : f32 to vector<256x2048xf32>
    %mul3A_43 = arith.mulf %dot_general3A_41, %mul3A_42 : vector<256x2048xf32>
    %jit3A_44 = arith.constant -3.40282347E+38 : f32
    %broadcast_in_dim3A_45 = vector.broadcast %jit3A_44 : f32 to vector<256x2048xf32>
    %select_n3A_46 = arith.select %le3A, %mul3A_43, %broadcast_in_dim3A_45 : vector<256x2048xi1>, vector<256x2048xf32>
    %reduce_max3A_47 = arith.constant dense<0xFF800000> : vector<256xf32>
    %reduce_max3A_48 = vector.multi_reduction <maximumf>, %select_n3A_46, %reduce_max3A_47 [1] : vector<256x2048xf32> to vector<256xf32>
    %broadcast_in_dim3A_49 = vector.shape_cast %reduce_max3A_48 : vector<256xf32> to vector<256x1xf32>
    %sub3A_50 = vector.broadcast %broadcast_in_dim3A_49 : vector<256x1xf32> to vector<256x2048xf32>
    %sub3A_51 = arith.subf %select_n3A_46, %sub3A_50 : vector<256x2048xf32>
    %exp3A_52 = math.exp %sub3A_51 : vector<256x2048xf32>
    %reduce_sum3A_53 = arith.constant dense<0.000000e+00> : vector<256xf32>
    %reduce_sum3A_54 = vector.multi_reduction <add>, %exp3A_52, %reduce_sum3A_53 [1] : vector<256x2048xf32> to vector<256xf32>
    %broadcast_in_dim3A_55 = vector.shape_cast %reduce_sum3A_54 : vector<256xf32> to vector<256x1xf32>
    %div3A_56 = vector.broadcast %broadcast_in_dim3A_55 : vector<256x1xf32> to vector<256x2048xf32>
    %div3A_57 = arith.divf %exp3A_52, %div3A_56 : vector<256x2048xf32>
    %dot_general3A_58 = arith.constant dense<0.000000e+00> : vector<256x64xf32>
    %dot_general3A_59 = tpu.matmul %div3A_57, %get3A_39, %dot_general3A_58 {dimension_numbers = #tpu.dot_dimension_numbers<[1], [0], [0], [1], [0, 0, 1, 1], [], []>, transpose_lhs_hint = false} : vector<256x2048xf32>, vector<2048x64xf32>, vector<256x64xf32> -> vector<256x64xf32>
    %swap3A_60 = arith.constant 0 : index
    %swap3A_61 = arith.constant 64 : index
    %swap3A_62 = vector.load %arg2[%swap3A_60, %swap3A_61] : memref<256x768xf32, #tpu.memory_space<vmem>>, vector<256x64xf32>
    tpu.vector_store %arg2[%swap3A_60, %swap3A_61], %dot_general3A_59 {strides = array<i32>} : memref<256x768xf32, #tpu.memory_space<vmem>>, vector<256x64xf32>,
    %mul3A_63 = arith.constant 256 : i32
    %mul3A_64 = arith.muli %arg0, %mul3A_63 : i32
    %get3A_65 = arith.index_cast %mul3A_64 : i32 to index
    %get3A_66 = arith.constant 128 : index
    %get3A_67 = vector.load %arg1[%get3A_65, %get3A_66] : memref<2048x2304xf32, #tpu.memory_space<vmem>>, vector<256x64xf32>
    %get3A_68 = arith.constant 0 : index
    %get3A_69 = arith.constant 896 : index
    %get3A_70 = vector.load %arg1[%get3A_68, %get3A_69] : memref<2048x2304xf32, #tpu.memory_space<vmem>>, vector<2048x64xf32>
    %get3A_71 = arith.constant 0 : index
    %get3A_72 = arith.constant 1664 : index
    %get3A_73 = vector.load %arg1[%get3A_71, %get3A_72] : memref<2048x2304xf32, #tpu.memory_space<vmem>>, vector<2048x64xf32>
    %dot_general3A_74 = arith.constant dense<0.000000e+00> : vector<256x2048xf32>
    %dot_general3A_75 = tpu.matmul %get3A_67, %get3A_70, %dot_general3A_74 {dimension_numbers = #tpu.dot_dimension_numbers<[1], [1], [0], [0], [0, 0, 1, 0], [], []>, transpose_lhs_hint = false} : vector<256x64xf32>, vector<2048x64xf32>, vector<256x2048xf32> -> vector<256x2048xf32>
    %mul3A_76 = vector.broadcast %div3A_1 : f32 to vector<256x2048xf32>
    %mul3A_77 = arith.mulf %dot_general3A_75, %mul3A_76 : vector<256x2048xf32>
    %jit3A_78 = arith.constant -3.40282347E+38 : f32
    %broadcast_in_dim3A_79 = vector.broadcast %jit3A_78 : f32 to vector<256x2048xf32>
    %select_n3A_80 = arith.select %le3A, %mul3A_77, %broadcast_in_dim3A_79 : vector<256x2048xi1>, vector<256x2048xf32>
    %reduce_max3A_81 = arith.constant dense<0xFF800000> : vector<256xf32>
    %reduce_max3A_82 = vector.multi_reduction <maximumf>, %select_n3A_80, %reduce_max3A_81 [1] : vector<256x2048xf32> to vector<256xf32>
    %broadcast_in_dim3A_83 = vector.shape_cast %reduce_max3A_82 : vector<256xf32> to vector<256x1xf32>
    %sub3A_84 = vector.broadcast %broadcast_in_dim3A_83 : vector<256x1xf32> to vector<256x2048xf32>
    %sub3A_85 = arith.subf %select_n3A_80, %sub3A_84 : vector<256x2048xf32>
    %exp3A_86 = math.exp %sub3A_85 : vector<256x2048xf32>
    %reduce_sum3A_87 = arith.constant dense<0.000000e+00> : vector<256xf32>
    %reduce_sum3A_88 = vector.multi_reduction <add>, %exp3A_86, %reduce_sum3A_87 [1] : vector<256x2048xf32> to vector<256xf32>
    %broadcast_in_dim3A_89 = vector.shape_cast %reduce_sum3A_88 : vector<256xf32> to vector<256x1xf32>
    %div3A_90 = vector.broadcast %broadcast_in_dim3A_89 : vector<256x1xf32> to vector<256x2048xf32>
    %div3A_91 = arith.divf %exp3A_86, %div3A_90 : vector<256x2048xf32>
    %dot_general3A_92 = arith.constant dense<0.000000e+00> : vector<256x64xf32>
    %dot_general3A_93 = tpu.matmul %div3A_91, %get3A_73, %dot_general3A_92 {dimension_numbers = #tpu.dot_dimension_numbers<[1], [0], [0], [1], [0, 0, 1, 1], [], []>, transpose_lhs_hint = false} : vector<256x2048xf32>, vector<2048x64xf32>, vector<256x64xf32> -> vector<256x64xf32>
    %swap3A_94 = arith.constant 0 : index
    %swap3A_95 = arith.constant 128 : index
    %swap3A_96 = vector.load %arg2[%swap3A_94, %swap3A_95] : memref<256x768xf32, #tpu.memory_space<vmem>>, vector<256x64xf32>
    tpu.vector_store %arg2[%swap3A_94, %swap3A_95], %dot_general3A_93 {strides = array<i32>} : memref<256x768xf32, #tpu.memory_space<vmem>>, vector<256x64xf32>,
    %mul3A_97 = arith.constant 256 : i32
    %mul3A_98 = arith.muli %arg0, %mul3A_97 : i32
    %get3A_99 = arith.index_cast %mul3A_98 : i32 to index
    %get3A_100 = arith.constant 192 : index
    %get3A_101 = vector.load %arg1[%get3A_99, %get3A_100] : memref<2048x2304xf32, #tpu.memory_space<vmem>>, vector<256x64xf32>
    %get3A_102 = arith.constant 0 : index
    %get3A_103 = arith.constant 960 : index
    %get3A_104 = vector.load %arg1[%get3A_102, %get3A_103] : memref<2048x2304xf32, #tpu.memory_space<vmem>>, vector<2048x64xf32>
    %get3A_105 = arith.constant 0 : index
    %get3A_106 = arith.constant 1728 : index
    %get3A_107 = vector.load %arg1[%get3A_105, %get3A_106] : memref<2048x2304xf32, #tpu.memory_space<vmem>>, vector<2048x64xf32>
    %dot_general3A_108 = arith.constant dense<0.000000e+00> : vector<256x2048xf32>
    %dot_general3A_109 = tpu.matmul %get3A_101, %get3A_104, %dot_general3A_108 {dimension_numbers = #tpu.dot_dimension_numbers<[1], [1], [0], [0], [0, 0, 1, 0], [], []>, transpose_lhs_hint = false} : vector<256x64xf32>, vector<2048x64xf32>, vector<256x2048xf32> -> vector<256x2048xf32>
    %mul3A_110 = vector.broadcast %div3A_1 : f32 to vector<256x2048xf32>
    %mul3A_111 = arith.mulf %dot_general3A_109, %mul3A_110 : vector<256x2048xf32>
    %jit3A_112 = arith.constant -3.40282347E+38 : f32
    %broadcast_in_dim3A_113 = vector.broadcast %jit3A_112 : f32 to vector<256x2048xf32>
    %select_n3A_114 = arith.select %le3A, %mul3A_111, %broadcast_in_dim3A_113 : vector<256x2048xi1>, vector<256x2048xf32>
    %reduce_max3A_115 = arith.constant dense<0xFF800000> : vector<256xf32>
    %reduce_max3A_116 = vector.multi_reduction <maximumf>, %select_n3A_114, %reduce_max3A_115 [1] : vector<256x2048xf32> to vector<256xf32>
    %broadcast_in_dim3A_117 = vector.shape_cast %reduce_max3A_116 : vector<256xf32> to vector<256x1xf32>
    %sub3A_118 = vector.broadcast %broadcast_in_dim3A_117 : vector<256x1xf32> to vector<256x2048xf32>
    %sub3A_119 = arith.subf %select_n3A_114, %sub3A_118 : vector<256x2048xf32>
    %exp3A_120 = math.exp %sub3A_119 : vector<256x2048xf32>
    %reduce_sum3A_121 = arith.constant dense<0.000000e+00> : vector<256xf32>
    %reduce_sum3A_122 = vector.multi_reduction <add>, %exp3A_120, %reduce_sum3A_121 [1] : vector<256x2048xf32> to vector<256xf32>
    %broadcast_in_dim3A_123 = vector.shape_cast %reduce_sum3A_122 : vector<256xf32> to vector<256x1xf32>
    %div3A_124 = vector.broadcast %broadcast_in_dim3A_123 : vector<256x1xf32> to vector<256x2048xf32>
    %div3A_125 = arith.divf %exp3A_120, %div3A_124 : vector<256x2048xf32>
    %dot_general3A_126 = arith.constant dense<0.000000e+00> : vector<256x64xf32>
    %dot_general3A_127 = tpu.matmul %div3A_125, %get3A_107, %dot_general3A_126 {dimension_numbers = #tpu.dot_dimension_numbers<[1], [0], [0], [1], [0, 0, 1, 1], [], []>, transpose_lhs_hint = false} : vector<256x2048xf32>, vector<2048x64xf32>, vector<256x64xf32> -> vector<256x64xf32>
    %swap3A_128 = arith.constant 0 : index
    %swap3A_129 = arith.constant 192 : index
    %swap3A_130 = vector.load %arg2[%swap3A_128, %swap3A_129] : memref<256x768xf32, #tpu.memory_space<vmem>>, vector<256x64xf32>
    tpu.vector_store %arg2[%swap3A_128, %swap3A_129], %dot_general3A_127 {strides = array<i32>} : memref<256x768xf32, #tpu.memory_space<vmem>>, vector<256x64xf32>,
    %mul3A_131 = arith.constant 256 : i32
    %mul3A_132 = arith.muli %arg0, %mul3A_131 : i32
    %get3A_133 = arith.index_cast %mul3A_132 : i32 to index
    %get3A_134 = arith.constant 256 : index
    %get3A_135 = vector.load %arg1[%get3A_133, %get3A_134] : memref<2048x2304xf32, #tpu.memory_space<vmem>>, vector<256x64xf32>
    %get3A_136 = arith.constant 0 : index
    %get3A_137 = arith.constant 1024 : index
    %get3A_138 = vector.load %arg1[%get3A_136, %get3A_137] : memref<2048x2304xf32, #tpu.memory_space<vmem>>, vector<2048x64xf32>
    %get3A_139 = arith.constant 0 : index
    %get3A_140 = arith.constant 1792 : index
    %get3A_141 = vector.load %arg1[%get3A_139, %get3A_140] : memref<2048x2304xf32, #tpu.memory_space<vmem>>, vector<2048x64xf32>
    %dot_general3A_142 = arith.constant dense<0.000000e+00> : vector<256x2048xf32>
    %dot_general3A_143 = tpu.matmul %get3A_135, %get3A_138, %dot_general3A_142 {dimension_numbers = #tpu.dot_dimension_numbers<[1], [1], [0], [0], [0, 0, 1, 0], [], []>, transpose_lhs_hint = false} : vector<256x64xf32>, vector<2048x64xf32>, vector<256x2048xf32> -> vector<256x2048xf32>
    %mul3A_144 = vector.broadcast %div3A_1 : f32 to vector<256x2048xf32>
    %mul3A_145 = arith.mulf %dot_general3A_143, %mul3A_144 : vector<256x2048xf32>
    %jit3A_146 = arith.constant -3.40282347E+38 : f32
    %broadcast_in_dim3A_147 = vector.broadcast %jit3A_146 : f32 to vector<256x2048xf32>
    %select_n3A_148 = arith.select %le3A, %mul3A_145, %broadcast_in_dim3A_147 : vector<256x2048xi1>, vector<256x2048xf32>
    %reduce_max3A_149 = arith.constant dense<0xFF800000> : vector<256xf32>
    %reduce_max3A_150 = vector.multi_reduction <maximumf>, %select_n3A_148, %reduce_max3A_149 [1] : vector<256x2048xf32> to vector<256xf32>
    %broadcast_in_dim3A_151 = vector.shape_cast %reduce_max3A_150 : vector<256xf32> to vector<256x1xf32>
    %sub3A_152 = vector.broadcast %broadcast_in_dim3A_151 : vector<256x1xf32> to vector<256x2048xf32>
    %sub3A_153 = arith.subf %select_n3A_148, %sub3A_152 : vector<256x2048xf32>
    %exp3A_154 = math.exp %sub3A_153 : vector<256x2048xf32>
    %reduce_sum3A_155 = arith.constant dense<0.000000e+00> : vector<256xf32>
    %reduce_sum3A_156 = vector.multi_reduction <add>, %exp3A_154, %reduce_sum3A_155 [1] : vector<256x2048xf32> to vector<256xf32>
    %broadcast_in_dim3A_157 = vector.shape_cast %reduce_sum3A_156 : vector<256xf32> to vector<256x1xf32>
    %div3A_158 = vector.broadcast %broadcast_in_dim3A_157 : vector<256x1xf32> to vector<256x2048xf32>
    %div3A_159 = arith.divf %exp3A_154, %div3A_158 : vector<256x2048xf32>
    %dot_general3A_160 = arith.constant dense<0.000000e+00> : vector<256x64xf32>
    %dot_general3A_161 = tpu.matmul %div3A_159, %get3A_141, %dot_general3A_160 {dimension_numbers = #tpu.dot_dimension_numbers<[1], [0], [0], [1], [0, 0, 1, 1], [], []>, transpose_lhs_hint = false} : vector<256x2048xf32>, vector<2048x64xf32>, vector<256x64xf32> -> vector<256x64xf32>
    %swap3A_162 = arith.constant 0 : index
    %swap3A_163 = arith.constant 256 : index
    %swap3A_164 = vector.load %arg2[%swap3A_162, %swap3A_163] : memref<256x768xf32, #tpu.memory_space<vmem>>, vector<256x64xf32>
    tpu.vector_store %arg2[%swap3A_162, %swap3A_163], %dot_general3A_161 {strides = array<i32>} : memref<256x768xf32, #tpu.memory_space<vmem>>, vector<256x64xf32>,
    %mul3A_165 = arith.constant 256 : i32
    %mul3A_166 = arith.muli %arg0, %mul3A_165 : i32
    %get3A_167 = arith.index_cast %mul3A_166 : i32 to index
    %get3A_168 = arith.constant 320 : index
    %get3A_169 = vector.load %arg1[%get3A_167, %get3A_168] : memref<2048x2304xf32, #tpu.memory_space<vmem>>, vector<256x64xf32>
    %get3A_170 = arith.constant 0 : index
    %get3A_171 = arith.constant 1088 : index
    %get3A_172 = vector.load %arg1[%get3A_170, %get3A_171] : memref<2048x2304xf32, #tpu.memory_space<vmem>>, vector<2048x64xf32>
    %get3A_173 = arith.constant 0 : index
    %get3A_174 = arith.constant 1856 : index
    %get3A_175 = vector.load %arg1[%get3A_173, %get3A_174] : memref<2048x2304xf32, #tpu.memory_space<vmem>>, vector<2048x64xf32>
    %dot_general3A_176 = arith.constant dense<0.000000e+00> : vector<256x2048xf32>
    %dot_general3A_177 = tpu.matmul %get3A_169, %get3A_172, %dot_general3A_176 {dimension_numbers = #tpu.dot_dimension_numbers<[1], [1], [0], [0], [0, 0, 1, 0], [], []>, transpose_lhs_hint = false} : vector<256x64xf32>, vector<2048x64xf32>, vector<256x2048xf32> -> vector<256x2048xf32>
    %mul3A_178 = vector.broadcast %div3A_1 : f32 to vector<256x2048xf32>
    %mul3A_179 = arith.mulf %dot_general3A_177, %mul3A_178 : vector<256x2048xf32>
    %jit3A_180 = arith.constant -3.40282347E+38 : f32
    %broadcast_in_dim3A_181 = vector.broadcast %jit3A_180 : f32 to vector<256x2048xf32>
    %select_n3A_182 = arith.select %le3A, %mul3A_179, %broadcast_in_dim3A_181 : vector<256x2048xi1>, vector<256x2048xf32>
    %reduce_max3A_183 = arith.constant dense<0xFF800000> : vector<256xf32>
    %reduce_max3A_184 = vector.multi_reduction <maximumf>, %select_n3A_182, %reduce_max3A_183 [1] : vector<256x2048xf32> to vector<256xf32>
    %broadcast_in_dim3A_185 = vector.shape_cast %reduce_max3A_184 : vector<256xf32> to vector<256x1xf32>
    %sub3A_186 = vector.broadcast %broadcast_in_dim3A_185 : vector<256x1xf32> to vector<256x2048xf32>
    %sub3A_187 = arith.subf %select_n3A_182, %sub3A_186 : vector<256x2048xf32>
    %exp3A_188 = math.exp %sub3A_187 : vector<256x2048xf32>
    %reduce_sum3A_189 = arith.constant dense<0.000000e+00> : vector<256xf32>
    %reduce_sum3A_190 = vector.multi_reduction <add>, %exp3A_188, %reduce_sum3A_189 [1] : vector<256x2048xf32> to vector<256xf32>
    %broadcast_in_dim3A_191 = vector.shape_cast %reduce_sum3A_190 : vector<256xf32> to vector<256x1xf32>
    %div3A_192 = vector.broadcast %broadcast_in_dim3A_191 : vector<256x1xf32> to vector<256x2048xf32>
    %div3A_193 = arith.divf %exp3A_188, %div3A_192 : vector<256x2048xf32>
    %dot_general3A_194 = arith.constant dense<0.000000e+00> : vector<256x64xf32>
    %dot_general3A_195 = tpu.matmul %div3A_193, %get3A_175, %dot_general3A_194 {dimension_numbers = #tpu.dot_dimension_numbers<[1], [0], [0], [1], [0, 0, 1, 1], [], []>, transpose_lhs_hint = false} : vector<256x2048xf32>, vector<2048x64xf32>, vector<256x64xf32> -> vector<256x64xf32>
    %swap3A_196 = arith.constant 0 : index
    %swap3A_197 = arith.constant 320 : index
    %swap3A_198 = vector.load %arg2[%swap3A_196, %swap3A_197] : memref<256x768xf32, #tpu.memory_space<vmem>>, vector<256x64xf32>
    tpu.vector_store %arg2[%swap3A_196, %swap3A_197], %dot_general3A_195 {strides = array<i32>} : memref<256x768xf32, #tpu.memory_space<vmem>>, vector<256x64xf32>,
    %mul3A_199 = arith.constant 256 : i32
    %mul3A_200 = arith.muli %arg0, %mul3A_199 : i32
    %get3A_201 = arith.index_cast %mul3A_200 : i32 to index
    %get3A_202 = arith.constant 384 : index
    %get3A_203 = vector.load %arg1[%get3A_201, %get3A_202] : memref<2048x2304xf32, #tpu.memory_space<vmem>>, vector<256x64xf32>
    %get3A_204 = arith.constant 0 : index
    %get3A_205 = arith.constant 1152 : index
    %get3A_206 = vector.load %arg1[%get3A_204, %get3A_205] : memref<2048x2304xf32, #tpu.memory_space<vmem>>, vector<2048x64xf32>
    %get3A_207 = arith.constant 0 : index
    %get3A_208 = arith.constant 1920 : index
    %get3A_209 = vector.load %arg1[%get3A_207, %get3A_208] : memref<2048x2304xf32, #tpu.memory_space<vmem>>, vector<2048x64xf32>
    %dot_general3A_210 = arith.constant dense<0.000000e+00> : vector<256x2048xf32>
    %dot_general3A_211 = tpu.matmul %get3A_203, %get3A_206, %dot_general3A_210 {dimension_numbers = #tpu.dot_dimension_numbers<[1], [1], [0], [0], [0, 0, 1, 0], [], []>, transpose_lhs_hint = false} : vector<256x64xf32>, vector<2048x64xf32>, vector<256x2048xf32> -> vector<256x2048xf32>
    %mul3A_212 = vector.broadcast %div3A_1 : f32 to vector<256x2048xf32>
    %mul3A_213 = arith.mulf %dot_general3A_211, %mul3A_212 : vector<256x2048xf32>
    %jit3A_214 = arith.constant -3.40282347E+38 : f32
    %broadcast_in_dim3A_215 = vector.broadcast %jit3A_214 : f32 to vector<256x2048xf32>
    %select_n3A_216 = arith.select %le3A, %mul3A_213, %broadcast_in_dim3A_215 : vector<256x2048xi1>, vector<256x2048xf32>
    %reduce_max3A_217 = arith.constant dense<0xFF800000> : vector<256xf32>
    %reduce_max3A_218 = vector.multi_reduction <maximumf>, %select_n3A_216, %reduce_max3A_217 [1] : vector<256x2048xf32> to vector<256xf32>
    %broadcast_in_dim3A_219 = vector.shape_cast %reduce_max3A_218 : vector<256xf32> to vector<256x1xf32>
    %sub3A_220 = vector.broadcast %broadcast_in_dim3A_219 : vector<256x1xf32> to vector<256x2048xf32>
    %sub3A_221 = arith.subf %select_n3A_216, %sub3A_220 : vector<256x2048xf32>
    %exp3A_222 = math.exp %sub3A_221 : vector<256x2048xf32>
    %reduce_sum3A_223 = arith.constant dense<0.000000e+00> : vector<256xf32>
    %reduce_sum3A_224 = vector.multi_reduction <add>, %exp3A_222, %reduce_sum3A_223 [1] : vector<256x2048xf32> to vector<256xf32>
    %broadcast_in_dim3A_225 = vector.shape_cast %reduce_sum3A_224 : vector<256xf32> to vector<256x1xf32>
    %div3A_226 = vector.broadcast %broadcast_in_dim3A_225 : vector<256x1xf32> to vector<256x2048xf32>
    %div3A_227 = arith.divf %exp3A_222, %div3A_226 : vector<256x2048xf32>
    %dot_general3A_228 = arith.constant dense<0.000000e+00> : vector<256x64xf32>
    %dot_general3A_229 = tpu.matmul %div3A_227, %get3A_209, %dot_general3A_228 {dimension_numbers = #tpu.dot_dimension_numbers<[1], [0], [0], [1], [0, 0, 1, 1], [], []>, transpose_lhs_hint = false} : vector<256x2048xf32>, vector<2048x64xf32>, vector<256x64xf32> -> vector<256x64xf32>
    %swap3A_230 = arith.constant 0 : index
    %swap3A_231 = arith.constant 384 : index
    %swap3A_232 = vector.load %arg2[%swap3A_230, %swap3A_231] : memref<256x768xf32, #tpu.memory_space<vmem>>, vector<256x64xf32>
    tpu.vector_store %arg2[%swap3A_230, %swap3A_231], %dot_general3A_229 {strides = array<i32>} : memref<256x768xf32, #tpu.memory_space<vmem>>, vector<256x64xf32>,
    %mul3A_233 = arith.constant 256 : i32
    %mul3A_234 = arith.muli %arg0, %mul3A_233 : i32
    %get3A_235 = arith.index_cast %mul3A_234 : i32 to index
    %get3A_236 = arith.constant 448 : index
    %get3A_237 = vector.load %arg1[%get3A_235, %get3A_236] : memref<2048x2304xf32, #tpu.memory_space<vmem>>, vector<256x64xf32>
    %get3A_238 = arith.constant 0 : index
    %get3A_239 = arith.constant 1216 : index
    %get3A_240 = vector.load %arg1[%get3A_238, %get3A_239] : memref<2048x2304xf32, #tpu.memory_space<vmem>>, vector<2048x64xf32>
    %get3A_241 = arith.constant 0 : index
    %get3A_242 = arith.constant 1984 : index
    %get3A_243 = vector.load %arg1[%get3A_241, %get3A_242] : memref<2048x2304xf32, #tpu.memory_space<vmem>>, vector<2048x64xf32>
    %dot_general3A_244 = arith.constant dense<0.000000e+00> : vector<256x2048xf32>
    %dot_general3A_245 = tpu.matmul %get3A_237, %get3A_240, %dot_general3A_244 {dimension_numbers = #tpu.dot_dimension_numbers<[1], [1], [0], [0], [0, 0, 1, 0], [], []>, transpose_lhs_hint = false} : vector<256x64xf32>, vector<2048x64xf32>, vector<256x2048xf32> -> vector<256x2048xf32>
    %mul3A_246 = vector.broadcast %div3A_1 : f32 to vector<256x2048xf32>
    %mul3A_247 = arith.mulf %dot_general3A_245, %mul3A_246 : vector<256x2048xf32>
    %jit3A_248 = arith.constant -3.40282347E+38 : f32
    %broadcast_in_dim3A_249 = vector.broadcast %jit3A_248 : f32 to vector<256x2048xf32>
    %select_n3A_250 = arith.select %le3A, %mul3A_247, %broadcast_in_dim3A_249 : vector<256x2048xi1>, vector<256x2048xf32>
    %reduce_max3A_251 = arith.constant dense<0xFF800000> : vector<256xf32>
    %reduce_max3A_252 = vector.multi_reduction <maximumf>, %select_n3A_250, %reduce_max3A_251 [1] : vector<256x2048xf32> to vector<256xf32>
    %broadcast_in_dim3A_253 = vector.shape_cast %reduce_max3A_252 : vector<256xf32> to vector<256x1xf32>
    %sub3A_254 = vector.broadcast %broadcast_in_dim3A_253 : vector<256x1xf32> to vector<256x2048xf32>
    %sub3A_255 = arith.subf %select_n3A_250, %sub3A_254 : vector<256x2048xf32>
    %exp3A_256 = math.exp %sub3A_255 : vector<256x2048xf32>
    %reduce_sum3A_257 = arith.constant dense<0.000000e+00> : vector<256xf32>
    %reduce_sum3A_258 = vector.multi_reduction <add>, %exp3A_256, %reduce_sum3A_257 [1] : vector<256x2048xf32> to vector<256xf32>
    %broadcast_in_dim3A_259 = vector.shape_cast %reduce_sum3A_258 : vector<256xf32> to vector<256x1xf32>
    %div3A_260 = vector.broadcast %broadcast_in_dim3A_259 : vector<256x1xf32> to vector<256x2048xf32>
    %div3A_261 = arith.divf %exp3A_256, %div3A_260 : vector<256x2048xf32>
    %dot_general3A_262 = arith.constant dense<0.000000e+00> : vector<256x64xf32>
    %dot_general3A_263 = tpu.matmul %div3A_261, %get3A_243, %dot_general3A_262 {dimension_numbers = #tpu.dot_dimension_numbers<[1], [0], [0], [1], [0, 0, 1, 1], [], []>, transpose_lhs_hint = false} : vector<256x2048xf32>, vector<2048x64xf32>, vector<256x64xf32> -> vector<256x64xf32>
    %swap3A_264 = arith.constant 0 : index
    %swap3A_265 = arith.constant 448 : index
    %swap3A_266 = vector.load %arg2[%swap3A_264, %swap3A_265] : memref<256x768xf32, #tpu.memory_space<vmem>>, vector<256x64xf32>
    tpu.vector_store %arg2[%swap3A_264, %swap3A_265], %dot_general3A_263 {strides = array<i32>} : memref<256x768xf32, #tpu.memory_space<vmem>>, vector<256x64xf32>,
    %mul3A_267 = arith.constant 256 : i32
    %mul3A_268 = arith.muli %arg0, %mul3A_267 : i32
    %get3A_269 = arith.index_cast %mul3A_268 : i32 to index
    %get3A_270 = arith.constant 512 : index
    %get3A_271 = vector.load %arg1[%get3A_269, %get3A_270] : memref<2048x2304xf32, #tpu.memory_space<vmem>>, vector<256x64xf32>
    %get3A_272 = arith.constant 0 : index
    %get3A_273 = arith.constant 1280 : index
    %get3A_274 = vector.load %arg1[%get3A_272, %get3A_273] : memref<2048x2304xf32, #tpu.memory_space<vmem>>, vector<2048x64xf32>
    %get3A_275 = arith.constant 0 : index
    %get3A_276 = arith.constant 2048 : index
    %get3A_277 = vector.load %arg1[%get3A_275, %get3A_276] : memref<2048x2304xf32, #tpu.memory_space<vmem>>, vector<2048x64xf32>
    %dot_general3A_278 = arith.constant dense<0.000000e+00> : vector<256x2048xf32>
    %dot_general3A_279 = tpu.matmul %get3A_271, %get3A_274, %dot_general3A_278 {dimension_numbers = #tpu.dot_dimension_numbers<[1], [1], [0], [0], [0, 0, 1, 0], [], []>, transpose_lhs_hint = false} : vector<256x64xf32>, vector<2048x64xf32>, vector<256x2048xf32> -> vector<256x2048xf32>
    %mul3A_280 = vector.broadcast %div3A_1 : f32 to vector<256x2048xf32>
    %mul3A_281 = arith.mulf %dot_general3A_279, %mul3A_280 : vector<256x2048xf32>
    %jit3A_282 = arith.constant -3.40282347E+38 : f32
    %broadcast_in_dim3A_283 = vector.broadcast %jit3A_282 : f32 to vector<256x2048xf32>
    %select_n3A_284 = arith.select %le3A, %mul3A_281, %broadcast_in_dim3A_283 : vector<256x2048xi1>, vector<256x2048xf32>
    %reduce_max3A_285 = arith.constant dense<0xFF800000> : vector<256xf32>
    %reduce_max3A_286 = vector.multi_reduction <maximumf>, %select_n3A_284, %reduce_max3A_285 [1] : vector<256x2048xf32> to vector<256xf32>
    %broadcast_in_dim3A_287 = vector.shape_cast %reduce_max3A_286 : vector<256xf32> to vector<256x1xf32>
    %sub3A_288 = vector.broadcast %broadcast_in_dim3A_287 : vector<256x1xf32> to vector<256x2048xf32>
    %sub3A_289 = arith.subf %select_n3A_284, %sub3A_288 : vector<256x2048xf32>
    %exp3A_290 = math.exp %sub3A_289 : vector<256x2048xf32>
    %reduce_sum3A_291 = arith.constant dense<0.000000e+00> : vector<256xf32>
    %reduce_sum3A_292 = vector.multi_reduction <add>, %exp3A_290, %reduce_sum3A_291 [1] : vector<256x2048xf32> to vector<256xf32>
    %broadcast_in_dim3A_293 = vector.shape_cast %reduce_sum3A_292 : vector<256xf32> to vector<256x1xf32>
    %div3A_294 = vector.broadcast %broadcast_in_dim3A_293 : vector<256x1xf32> to vector<256x2048xf32>
    %div3A_295 = arith.divf %exp3A_290, %div3A_294 : vector<256x2048xf32>
    %dot_general3A_296 = arith.constant dense<0.000000e+00> : vector<256x64xf32>
    %dot_general3A_297 = tpu.matmul %div3A_295, %get3A_277, %dot_general3A_296 {dimension_numbers = #tpu.dot_dimension_numbers<[1], [0], [0], [1], [0, 0, 1, 1], [], []>, transpose_lhs_hint = false} : vector<256x2048xf32>, vector<2048x64xf32>, vector<256x64xf32> -> vector<256x64xf32>
    %swap3A_298 = arith.constant 0 : index
    %swap3A_299 = arith.constant 512 : index
    %swap3A_300 = vector.load %arg2[%swap3A_298, %swap3A_299] : memref<256x768xf32, #tpu.memory_space<vmem>>, vector<256x64xf32>
    tpu.vector_store %arg2[%swap3A_298, %swap3A_299], %dot_general3A_297 {strides = array<i32>} : memref<256x768xf32, #tpu.memory_space<vmem>>, vector<256x64xf32>,
    %mul3A_301 = arith.constant 256 : i32
    %mul3A_302 = arith.muli %arg0, %mul3A_301 : i32
    %get3A_303 = arith.index_cast %mul3A_302 : i32 to index
    %get3A_304 = arith.constant 576 : index
    %get3A_305 = vector.load %arg1[%get3A_303, %get3A_304] : memref<2048x2304xf32, #tpu.memory_space<vmem>>, vector<256x64xf32>
    %get3A_306 = arith.constant 0 : index
    %get3A_307 = arith.constant 1344 : index
    %get3A_308 = vector.load %arg1[%get3A_306, %get3A_307] : memref<2048x2304xf32, #tpu.memory_space<vmem>>, vector<2048x64xf32>
    %get3A_309 = arith.constant 0 : index
    %get3A_310 = arith.constant 2112 : index
    %get3A_311 = vector.load %arg1[%get3A_309, %get3A_310] : memref<2048x2304xf32, #tpu.memory_space<vmem>>, vector<2048x64xf32>
    %dot_general3A_312 = arith.constant dense<0.000000e+00> : vector<256x2048xf32>
    %dot_general3A_313 = tpu.matmul %get3A_305, %get3A_308, %dot_general3A_312 {dimension_numbers = #tpu.dot_dimension_numbers<[1], [1], [0], [0], [0, 0, 1, 0], [], []>, transpose_lhs_hint = false} : vector<256x64xf32>, vector<2048x64xf32>, vector<256x2048xf32> -> vector<256x2048xf32>
    %mul3A_314 = vector.broadcast %div3A_1 : f32 to vector<256x2048xf32>
    %mul3A_315 = arith.mulf %dot_general3A_313, %mul3A_314 : vector<256x2048xf32>
    %jit3A_316 = arith.constant -3.40282347E+38 : f32
    %broadcast_in_dim3A_317 = vector.broadcast %jit3A_316 : f32 to vector<256x2048xf32>
    %select_n3A_318 = arith.select %le3A, %mul3A_315, %broadcast_in_dim3A_317 : vector<256x2048xi1>, vector<256x2048xf32>
    %reduce_max3A_319 = arith.constant dense<0xFF800000> : vector<256xf32>
    %reduce_max3A_320 = vector.multi_reduction <maximumf>, %select_n3A_318, %reduce_max3A_319 [1] : vector<256x2048xf32> to vector<256xf32>
    %broadcast_in_dim3A_321 = vector.shape_cast %reduce_max3A_320 : vector<256xf32> to vector<256x1xf32>
    %sub3A_322 = vector.broadcast %broadcast_in_dim3A_321 : vector<256x1xf32> to vector<256x2048xf32>
    %sub3A_323 = arith.subf %select_n3A_318, %sub3A_322 : vector<256x2048xf32>
    %exp3A_324 = math.exp %sub3A_323 : vector<256x2048xf32>
    %reduce_sum3A_325 = arith.constant dense<0.000000e+00> : vector<256xf32>
    %reduce_sum3A_326 = vector.multi_reduction <add>, %exp3A_324, %reduce_sum3A_325 [1] : vector<256x2048xf32> to vector<256xf32>
    %broadcast_in_dim3A_327 = vector.shape_cast %reduce_sum3A_326 : vector<256xf32> to vector<256x1xf32>
    %div3A_328 = vector.broadcast %broadcast_in_dim3A_327 : vector<256x1xf32> to vector<256x2048xf32>
    %div3A_329 = arith.divf %exp3A_324, %div3A_328 : vector<256x2048xf32>
    %dot_general3A_330 = arith.constant dense<0.000000e+00> : vector<256x64xf32>
    %dot_general3A_331 = tpu.matmul %div3A_329, %get3A_311, %dot_general3A_330 {dimension_numbers = #tpu.dot_dimension_numbers<[1], [0], [0], [1], [0, 0, 1, 1], [], []>, transpose_lhs_hint = false} : vector<256x2048xf32>, vector<2048x64xf32>, vector<256x64xf32> -> vector<256x64xf32>
    %swap3A_332 = arith.constant 0 : index
    %swap3A_333 = arith.constant 576 : index
    %swap3A_334 = vector.load %arg2[%swap3A_332, %swap3A_333] : memref<256x768xf32, #tpu.memory_space<vmem>>, vector<256x64xf32>
    tpu.vector_store %arg2[%swap3A_332, %swap3A_333], %dot_general3A_331 {strides = array<i32>} : memref<256x768xf32, #tpu.memory_space<vmem>>, vector<256x64xf32>,
    %mul3A_335 = arith.constant 256 : i32
    %mul3A_336 = arith.muli %arg0, %mul3A_335 : i32
    %get3A_337 = arith.index_cast %mul3A_336 : i32 to index
    %get3A_338 = arith.constant 640 : index
    %get3A_339 = vector.load %arg1[%get3A_337, %get3A_338] : memref<2048x2304xf32, #tpu.memory_space<vmem>>, vector<256x64xf32>
    %get3A_340 = arith.constant 0 : index
    %get3A_341 = arith.constant 1408 : index
    %get3A_342 = vector.load %arg1[%get3A_340, %get3A_341] : memref<2048x2304xf32, #tpu.memory_space<vmem>>, vector<2048x64xf32>
    %get3A_343 = arith.constant 0 : index
    %get3A_344 = arith.constant 2176 : index
    %get3A_345 = vector.load %arg1[%get3A_343, %get3A_344] : memref<2048x2304xf32, #tpu.memory_space<vmem>>, vector<2048x64xf32>
    %dot_general3A_346 = arith.constant dense<0.000000e+00> : vector<256x2048xf32>
    %dot_general3A_347 = tpu.matmul %get3A_339, %get3A_342, %dot_general3A_346 {dimension_numbers = #tpu.dot_dimension_numbers<[1], [1], [0], [0], [0, 0, 1, 0], [], []>, transpose_lhs_hint = false} : vector<256x64xf32>, vector<2048x64xf32>, vector<256x2048xf32> -> vector<256x2048xf32>
    %mul3A_348 = vector.broadcast %div3A_1 : f32 to vector<256x2048xf32>
    %mul3A_349 = arith.mulf %dot_general3A_347, %mul3A_348 : vector<256x2048xf32>
    %jit3A_350 = arith.constant -3.40282347E+38 : f32
    %broadcast_in_dim3A_351 = vector.broadcast %jit3A_350 : f32 to vector<256x2048xf32>
    %select_n3A_352 = arith.select %le3A, %mul3A_349, %broadcast_in_dim3A_351 : vector<256x2048xi1>, vector<256x2048xf32>
    %reduce_max3A_353 = arith.constant dense<0xFF800000> : vector<256xf32>
    %reduce_max3A_354 = vector.multi_reduction <maximumf>, %select_n3A_352, %reduce_max3A_353 [1] : vector<256x2048xf32> to vector<256xf32>
    %broadcast_in_dim3A_355 = vector.shape_cast %reduce_max3A_354 : vector<256xf32> to vector<256x1xf32>
    %sub3A_356 = vector.broadcast %broadcast_in_dim3A_355 : vector<256x1xf32> to vector<256x2048xf32>
    %sub3A_357 = arith.subf %select_n3A_352, %sub3A_356 : vector<256x2048xf32>
    %exp3A_358 = math.exp %sub3A_357 : vector<256x2048xf32>
    %reduce_sum3A_359 = arith.constant dense<0.000000e+00> : vector<256xf32>
    %reduce_sum3A_360 = vector.multi_reduction <add>, %exp3A_358, %reduce_sum3A_359 [1] : vector<256x2048xf32> to vector<256xf32>
    %broadcast_in_dim3A_361 = vector.shape_cast %reduce_sum3A_360 : vector<256xf32> to vector<256x1xf32>
    %div3A_362 = vector.broadcast %broadcast_in_dim3A_361 : vector<256x1xf32> to vector<256x2048xf32>
    %div3A_363 = arith.divf %exp3A_358, %div3A_362 : vector<256x2048xf32>
    %dot_general3A_364 = arith.constant dense<0.000000e+00> : vector<256x64xf32>
    %dot_general3A_365 = tpu.matmul %div3A_363, %get3A_345, %dot_general3A_364 {dimension_numbers = #tpu.dot_dimension_numbers<[1], [0], [0], [1], [0, 0, 1, 1], [], []>, transpose_lhs_hint = false} : vector<256x2048xf32>, vector<2048x64xf32>, vector<256x64xf32> -> vector<256x64xf32>
    %swap3A_366 = arith.constant 0 : index
    %swap3A_367 = arith.constant 640 : index
    %swap3A_368 = vector.load %arg2[%swap3A_366, %swap3A_367] : memref<256x768xf32, #tpu.memory_space<vmem>>, vector<256x64xf32>
    tpu.vector_store %arg2[%swap3A_366, %swap3A_367], %dot_general3A_365 {strides = array<i32>} : memref<256x768xf32, #tpu.memory_space<vmem>>, vector<256x64xf32>,
    %mul3A_369 = arith.constant 256 : i32
    %mul3A_370 = arith.muli %arg0, %mul3A_369 : i32
    %get3A_371 = arith.index_cast %mul3A_370 : i32 to index
    %get3A_372 = arith.constant 704 : index
    %get3A_373 = vector.load %arg1[%get3A_371, %get3A_372] : memref<2048x2304xf32, #tpu.memory_space<vmem>>, vector<256x64xf32>
    %get3A_374 = arith.constant 0 : index
    %get3A_375 = arith.constant 1472 : index
    %get3A_376 = vector.load %arg1[%get3A_374, %get3A_375] : memref<2048x2304xf32, #tpu.memory_space<vmem>>, vector<2048x64xf32>
    %get3A_377 = arith.constant 0 : index
    %get3A_378 = arith.constant 2240 : index
    %get3A_379 = vector.load %arg1[%get3A_377, %get3A_378] : memref<2048x2304xf32, #tpu.memory_space<vmem>>, vector<2048x64xf32>
    %dot_general3A_380 = arith.constant dense<0.000000e+00> : vector<256x2048xf32>
    %dot_general3A_381 = tpu.matmul %get3A_373, %get3A_376, %dot_general3A_380 {dimension_numbers = #tpu.dot_dimension_numbers<[1], [1], [0], [0], [0, 0, 1, 0], [], []>, transpose_lhs_hint = false} : vector<256x64xf32>, vector<2048x64xf32>, vector<256x2048xf32> -> vector<256x2048xf32>
    %mul3A_382 = vector.broadcast %div3A_1 : f32 to vector<256x2048xf32>
    %mul3A_383 = arith.mulf %dot_general3A_381, %mul3A_382 : vector<256x2048xf32>
    %jit3A_384 = arith.constant -3.40282347E+38 : f32
    %broadcast_in_dim3A_385 = vector.broadcast %jit3A_384 : f32 to vector<256x2048xf32>
    %select_n3A_386 = arith.select %le3A, %mul3A_383, %broadcast_in_dim3A_385 : vector<256x2048xi1>, vector<256x2048xf32>
    %reduce_max3A_387 = arith.constant dense<0xFF800000> : vector<256xf32>
    %reduce_max3A_388 = vector.multi_reduction <maximumf>, %select_n3A_386, %reduce_max3A_387 [1] : vector<256x2048xf32> to vector<256xf32>
    %broadcast_in_dim3A_389 = vector.shape_cast %reduce_max3A_388 : vector<256xf32> to vector<256x1xf32>
    %sub3A_390 = vector.broadcast %broadcast_in_dim3A_389 : vector<256x1xf32> to vector<256x2048xf32>
    %sub3A_391 = arith.subf %select_n3A_386, %sub3A_390 : vector<256x2048xf32>
    %exp3A_392 = math.exp %sub3A_391 : vector<256x2048xf32>
    %reduce_sum3A_393 = arith.constant dense<0.000000e+00> : vector<256xf32>
    %reduce_sum3A_394 = vector.multi_reduction <add>, %exp3A_392, %reduce_sum3A_393 [1] : vector<256x2048xf32> to vector<256xf32>
    %broadcast_in_dim3A_395 = vector.shape_cast %reduce_sum3A_394 : vector<256xf32> to vector<256x1xf32>
    %div3A_396 = vector.broadcast %broadcast_in_dim3A_395 : vector<256x1xf32> to vector<256x2048xf32>
    %div3A_397 = arith.divf %exp3A_392, %div3A_396 : vector<256x2048xf32>
    %dot_general3A_398 = arith.constant dense<0.000000e+00> : vector<256x64xf32>
    %dot_general3A_399 = tpu.matmul %div3A_397, %get3A_379, %dot_general3A_398 {dimension_numbers = #tpu.dot_dimension_numbers<[1], [0], [0], [1], [0, 0, 1, 1], [], []>, transpose_lhs_hint = false} : vector<256x2048xf32>, vector<2048x64xf32>, vector<256x64xf32> -> vector<256x64xf32>
    %swap3A_400 = arith.constant 0 : index
    %swap3A_401 = arith.constant 704 : index
    %swap3A_402 = vector.load %arg2[%swap3A_400, %swap3A_401] : memref<256x768xf32, #tpu.memory_space<vmem>>, vector<256x64xf32>
    tpu.vector_store %arg2[%swap3A_400, %swap3A_401], %dot_general3A_399 {strides = array<i32>} : memref<256x768xf32, #tpu.memory_space<vmem>>, vector<256x64xf32>,
    return
  }
  func.func @transform_0(%arg0: i32) -> (i32, i32) {
    %c0_i32 = arith.constant 0 : i32
    %c0_i32_0 = arith.constant 0 : i32
    %c0_i32_1 = arith.constant 0 : i32
    return %c0_i32, %c0_i32_0 : i32, i32
  }
  func.func @transform_1(%arg0: i32) -> (i32, i32) {
    %c0_i32 = arith.constant 0 : i32
    %c0_i32_0 = arith.constant 0 : i32
    return %arg0, %c0_i32 : i32, i32
  }
}

module attributes {stable_mosaic.version = 14 : i64} {
  func.func @_moe_body(%arg0: i32, %arg1: memref<2048x768xf32, #tpu.memory_space<vmem>>, %arg2: memref<2048x768xf32, #tpu.memory_space<vmem>>, %arg3: memref<2048x16xf32, #tpu.memory_space<vmem>>, %arg4: memref<1x512x768xf32, #tpu.memory_space<vmem>>, %arg5: memref<1x768x512xf32, #tpu.memory_space<vmem>>, %arg6: memref<2048x768xf32, #tpu.memory_space<vmem>>) attributes {dimension_semantics = [#tpu.dimension_semantics<arbitrary>], iteration_bounds = array<i64: 16>, scalar_prefetch = 0 : i64, scratch_operands = 0 : i64, tpu.core_type = #tpu.core_type<tc>, window_params = [{pipeline_mode = #tpu.pipeline_mode<synchronous>, transform_indices = @transform_0, window_bounds = array<i64: 2048, 768>}, {pipeline_mode = #tpu.pipeline_mode<synchronous>, transform_indices = @transform_1, window_bounds = array<i64: 2048, 768>}, {pipeline_mode = #tpu.pipeline_mode<synchronous>, transform_indices = @transform_2, window_bounds = array<i64: 2048, 16>}, {transform_indices = @transform_3, window_bounds = array<i64: 1, 512, 768>}, {transform_indices = @transform_4, window_bounds = array<i64: 1, 768, 512>}, {pipeline_mode = #tpu.pipeline_mode<synchronous>, transform_indices = @transform_5, window_bounds = array<i64: 2048, 768>}]} {
    %eq3A = arith.constant 0 : i32
    %eq3A_0 = arith.cmpi eq, %arg0, %eq3A : i32
    %convert_element_type3A = arith.extui %eq3A_0 : i1 to i32
    %cond3A = arith.constant 0 : i32
    %cond3A_1 = arith.cmpi ne, %convert_element_type3A, %cond3A : i32
    scf.if %cond3A_1 {
      %get3A_43 = arith.constant 0 : index
      %get3A_44 = arith.constant 0 : index
      %get3A_45 = vector.load %arg2[%get3A_43, %get3A_44] : memref<2048x768xf32, #tpu.memory_space<vmem>>, vector<2048x768xf32>
      %swap3A_46 = arith.constant 0 : index
      %swap3A_47 = arith.constant 0 : index
      %swap3A_48 = vector.load %arg6[%swap3A_46, %swap3A_47] : memref<2048x768xf32, #tpu.memory_space<vmem>>, vector<2048x768xf32>
      tpu.vector_store %arg6[%swap3A_46, %swap3A_47], %get3A_45 {strides = array<i32>} : memref<2048x768xf32, #tpu.memory_space<vmem>>, vector<2048x768xf32>,
    } else {
    }
    %iota3A = tpu.iota {dimensions = array<i32: 1>} : vector<1x16xi32>
    %eq3A_2 = vector.broadcast %arg0 : i32 to vector<1x16xi32>
    %eq3A_3 = arith.cmpi eq, %iota3A, %eq3A_2 : vector<1x16xi32>
    %convert_element_type3A_4 = arith.extui %eq3A_3 : vector<1x16xi1> to vector<1x16xi32>
    %convert_element_type3A_5 = arith.sitofp %convert_element_type3A_4 : vector<1x16xi32> to vector<1x16xf32>
    %get3A = arith.constant 0 : index
    %get3A_6 = arith.constant 0 : index
    %get3A_7 = vector.load %arg3[%get3A, %get3A_6] : memref<2048x16xf32, #tpu.memory_space<vmem>>, vector<2048x16xf32>
    %mul3A = vector.broadcast %convert_element_type3A_5 : vector<1x16xf32> to vector<2048x16xf32>
    %mul3A_8 = arith.mulf %get3A_7, %mul3A : vector<2048x16xf32>
    %reduce_sum3A = arith.constant dense<0.000000e+00> : vector<2048xf32>
    %reduce_sum3A_9 = vector.multi_reduction <add>, %mul3A_8, %reduce_sum3A [1] : vector<2048x16xf32> to vector<2048xf32>
    %broadcast_in_dim3A = vector.shape_cast %reduce_sum3A_9 : vector<2048xf32> to vector<2048x1xf32>
    %get3A_10 = arith.constant 0 : index
    %get3A_11 = arith.constant 0 : index
    %get3A_12 = vector.load %arg1[%get3A_10, %get3A_11] : memref<2048x768xf32, #tpu.memory_space<vmem>>, vector<2048x768xf32>
    %get3A_13 = arith.constant 0 : index
    %get3A_14 = arith.constant 0 : index
    %get3A_15 = arith.constant 0 : index
    %get3A_16 = vector.load %arg4[%get3A_13, %get3A_14, %get3A_15] : memref<1x512x768xf32, #tpu.memory_space<vmem>>, vector<1x512x768xf32>
    %get3A_17 = vector.shape_cast %get3A_16 : vector<1x512x768xf32> to vector<512x768xf32>
    %dot_general3A = arith.constant dense<0.000000e+00> : vector<2048x512xf32>
    %dot_general3A_18 = tpu.matmul %get3A_12, %get3A_17, %dot_general3A {dimension_numbers = #tpu.dot_dimension_numbers<[1], [1], [0], [0], [0, 0, 1, 0], [], []>, transpose_lhs_hint = false} : vector<2048x768xf32>, vector<512x768xf32>, vector<2048x512xf32> -> vector<2048x512xf32>
    %mul3A_19 = arith.constant 5.000000e-01 : f32
    %mul3A_20 = vector.broadcast %mul3A_19 : f32 to vector<2048x512xf32>
    %mul3A_21 = arith.mulf %mul3A_20, %dot_general3A_18 : vector<2048x512xf32>
    %mul3A_22 = arith.constant 0.707106769 : f32
    %mul3A_23 = vector.broadcast %mul3A_22 : f32 to vector<2048x512xf32>
    %mul3A_24 = arith.mulf %dot_general3A_18, %mul3A_23 : vector<2048x512xf32>
    %erf3A = math.erf %mul3A_24 : vector<2048x512xf32>
    %add3A = arith.constant 1.000000e+00 : f32
    %add3A_25 = vector.broadcast %add3A : f32 to vector<2048x512xf32>
    %add3A_26 = arith.addf %add3A_25, %erf3A : vector<2048x512xf32>
    %mul3A_27 = arith.mulf %mul3A_21, %add3A_26 : vector<2048x512xf32>
    %get3A_28 = arith.constant 0 : index
    %get3A_29 = arith.constant 0 : index
    %get3A_30 = arith.constant 0 : index
    %get3A_31 = vector.load %arg5[%get3A_28, %get3A_29, %get3A_30] : memref<1x768x512xf32, #tpu.memory_space<vmem>>, vector<1x768x512xf32>
    %get3A_32 = vector.shape_cast %get3A_31 : vector<1x768x512xf32> to vector<768x512xf32>
    %dot_general3A_33 = arith.constant dense<0.000000e+00> : vector<2048x768xf32>
    %dot_general3A_34 = tpu.matmul %mul3A_27, %get3A_32, %dot_general3A_33 {dimension_numbers = #tpu.dot_dimension_numbers<[1], [1], [0], [0], [0, 0, 1, 0], [], []>, transpose_lhs_hint = false} : vector<2048x512xf32>, vector<768x512xf32>, vector<2048x768xf32> -> vector<2048x768xf32>
    %get3A_35 = arith.constant 0 : index
    %get3A_36 = arith.constant 0 : index
    %get3A_37 = vector.load %arg6[%get3A_35, %get3A_36] : memref<2048x768xf32, #tpu.memory_space<vmem>>, vector<2048x768xf32>
    %mul3A_38 = vector.broadcast %broadcast_in_dim3A : vector<2048x1xf32> to vector<2048x768xf32>
    %mul3A_39 = arith.mulf %dot_general3A_34, %mul3A_38 : vector<2048x768xf32>
    %add3A_40 = arith.addf %get3A_37, %mul3A_39 : vector<2048x768xf32>
    %swap3A = arith.constant 0 : index
    %swap3A_41 = arith.constant 0 : index
    %swap3A_42 = vector.load %arg6[%swap3A, %swap3A_41] : memref<2048x768xf32, #tpu.memory_space<vmem>>, vector<2048x768xf32>
    tpu.vector_store %arg6[%swap3A, %swap3A_41], %add3A_40 {strides = array<i32>} : memref<2048x768xf32, #tpu.memory_space<vmem>>, vector<2048x768xf32>,
    return
  }
  func.func @transform_0(%arg0: i32) -> (i32, i32) {
    %c0_i32 = arith.constant 0 : i32
    %c0_i32_0 = arith.constant 0 : i32
    %c0_i32_1 = arith.constant 0 : i32
    return %c0_i32, %c0_i32_0 : i32, i32
  }
  func.func @transform_1(%arg0: i32) -> (i32, i32) {
    %c0_i32 = arith.constant 0 : i32
    %c0_i32_0 = arith.constant 0 : i32
    %c0_i32_1 = arith.constant 0 : i32
    return %c0_i32, %c0_i32_0 : i32, i32
  }
  func.func @transform_2(%arg0: i32) -> (i32, i32) {
    %c0_i32 = arith.constant 0 : i32
    %c0_i32_0 = arith.constant 0 : i32
    %c0_i32_1 = arith.constant 0 : i32
    return %c0_i32, %c0_i32_0 : i32, i32
  }
  func.func @transform_3(%arg0: i32) -> (i32, i32, i32) {
    %c0_i32 = arith.constant 0 : i32
    %c0_i32_0 = arith.constant 0 : i32
    %c0_i32_1 = arith.constant 0 : i32
    return %arg0, %c0_i32, %c0_i32_0 : i32, i32, i32
  }
  func.func @transform_4(%arg0: i32) -> (i32, i32, i32) {
    %c0_i32 = arith.constant 0 : i32
    %c0_i32_0 = arith.constant 0 : i32
    %c0_i32_1 = arith.constant 0 : i32
    return %arg0, %c0_i32, %c0_i32_0 : i32, i32, i32
  }
  func.func @transform_5(%arg0: i32) -> (i32, i32) {
    %c0_i32 = arith.constant 0 : i32
    %c0_i32_0 = arith.constant 0 : i32
    %c0_i32_1 = arith.constant 0 : i32
    return %c0_i32, %c0_i32_0 : i32, i32
  }
}

module attributes {stable_mosaic.version = 14 : i64} {
  func.func @_postattn_body(%arg0: i32, %arg1: memref<256x768xf32, #tpu.memory_space<vmem>>, %arg2: memref<256x768xf32, #tpu.memory_space<vmem>>, %arg3: memref<1x768xf32, #tpu.memory_space<vmem>>, %arg4: memref<1x768xf32, #tpu.memory_space<vmem>>, %arg5: memref<768x768xf32, #tpu.memory_space<vmem>>, %arg6: memref<512x768xf32, #tpu.memory_space<vmem>>, %arg7: memref<768x512xf32, #tpu.memory_space<vmem>>, %arg8: memref<16x768xf32, #tpu.memory_space<vmem>>, %arg9: memref<256x768xf32, #tpu.memory_space<vmem>>, %arg10: memref<256x768xf32, #tpu.memory_space<vmem>>, %arg11: memref<256x16xf32, #tpu.memory_space<vmem>>) attributes {dimension_semantics = [#tpu.dimension_semantics<arbitrary>], iteration_bounds = array<i64: 8>, scalar_prefetch = 0 : i64, scratch_operands = 0 : i64, tpu.core_type = #tpu.core_type<tc>, window_params = [{transform_indices = @transform_0, window_bounds = array<i64: 256, 768>}, {transform_indices = @transform_1, window_bounds = array<i64: 256, 768>}, {pipeline_mode = #tpu.pipeline_mode<synchronous>, transform_indices = @transform_2, window_bounds = array<i64: 1, 768>}, {pipeline_mode = #tpu.pipeline_mode<synchronous>, transform_indices = @transform_3, window_bounds = array<i64: 1, 768>}, {pipeline_mode = #tpu.pipeline_mode<synchronous>, transform_indices = @transform_4, window_bounds = array<i64: 768, 768>}, {pipeline_mode = #tpu.pipeline_mode<synchronous>, transform_indices = @transform_5, window_bounds = array<i64: 512, 768>}, {pipeline_mode = #tpu.pipeline_mode<synchronous>, transform_indices = @transform_6, window_bounds = array<i64: 768, 512>}, {pipeline_mode = #tpu.pipeline_mode<synchronous>, transform_indices = @transform_7, window_bounds = array<i64: 16, 768>}, {transform_indices = @transform_8, window_bounds = array<i64: 256, 768>}, {transform_indices = @transform_9, window_bounds = array<i64: 256, 768>}, {transform_indices = @transform_10, window_bounds = array<i64: 256, 16>}]} {
    %get3A = arith.constant 0 : index
    %get3A_0 = arith.constant 0 : index
    %get3A_1 = vector.load %arg2[%get3A, %get3A_0] : memref<256x768xf32, #tpu.memory_space<vmem>>, vector<256x768xf32>
    %get3A_2 = arith.constant 0 : index
    %get3A_3 = arith.constant 0 : index
    %get3A_4 = vector.load %arg1[%get3A_2, %get3A_3] : memref<256x768xf32, #tpu.memory_space<vmem>>, vector<256x768xf32>
    %get3A_5 = arith.constant 0 : index
    %get3A_6 = arith.constant 0 : index
    %get3A_7 = vector.load %arg5[%get3A_5, %get3A_6] : memref<768x768xf32, #tpu.memory_space<vmem>>, vector<768x768xf32>
    %dot_general3A = arith.constant dense<0.000000e+00> : vector<256x768xf32>
    %dot_general3A_8 = tpu.matmul %get3A_4, %get3A_7, %dot_general3A {dimension_numbers = #tpu.dot_dimension_numbers<[1], [1], [0], [0], [0, 0, 1, 0], [], []>, transpose_lhs_hint = false} : vector<256x768xf32>, vector<768x768xf32>, vector<256x768xf32> -> vector<256x768xf32>
    %add3A = arith.addf %dot_general3A_8, %get3A_1 : vector<256x768xf32>
    %get3A_9 = arith.constant 0 : index
    %get3A_10 = arith.constant 0 : index
    %get3A_11 = vector.load %arg3[%get3A_9, %get3A_10] : memref<1x768xf32, #tpu.memory_space<vmem>>, vector<1x768xf32>
    %get3A_12 = arith.constant 0 : index
    %get3A_13 = arith.constant 0 : index
    %get3A_14 = vector.load %arg4[%get3A_12, %get3A_13] : memref<1x768xf32, #tpu.memory_space<vmem>>, vector<1x768xf32>
    %reduce_sum3A = arith.constant dense<0.000000e+00> : vector<256xf32>
    %reduce_sum3A_15 = vector.multi_reduction <add>, %add3A, %reduce_sum3A [1] : vector<256x768xf32> to vector<256xf32>
    %broadcast_in_dim3A = vector.shape_cast %reduce_sum3A_15 : vector<256xf32> to vector<256x1xf32>
    %div3A = arith.constant 7.680000e+02 : f32
    %div3A_16 = vector.broadcast %div3A : f32 to vector<256x1xf32>
    %div3A_17 = arith.divf %broadcast_in_dim3A, %div3A_16 : vector<256x1xf32>
    %sub3A = vector.broadcast %div3A_17 : vector<256x1xf32> to vector<256x768xf32>
    %sub3A_18 = arith.subf %add3A, %sub3A : vector<256x768xf32>
    %integer_pow3A = arith.mulf %sub3A_18, %sub3A_18 : vector<256x768xf32>
    %reduce_sum3A_19 = arith.constant dense<0.000000e+00> : vector<256xf32>
    %reduce_sum3A_20 = vector.multi_reduction <add>, %integer_pow3A, %reduce_sum3A_19 [1] : vector<256x768xf32> to vector<256xf32>
    %broadcast_in_dim3A_21 = vector.shape_cast %reduce_sum3A_20 : vector<256xf32> to vector<256x1xf32>
    %div3A_22 = arith.constant 7.680000e+02 : f32
    %div3A_23 = vector.broadcast %div3A_22 : f32 to vector<256x1xf32>
    %div3A_24 = arith.divf %broadcast_in_dim3A_21, %div3A_23 : vector<256x1xf32>
    %sub3A_25 = vector.broadcast %div3A_17 : vector<256x1xf32> to vector<256x768xf32>
    %sub3A_26 = arith.subf %add3A, %sub3A_25 : vector<256x768xf32>
    %add3A_27 = arith.constant 9.99999974E-6 : f32
    %add3A_28 = vector.broadcast %add3A_27 : f32 to vector<256x1xf32>
    %add3A_29 = arith.addf %div3A_24, %add3A_28 : vector<256x1xf32>
    %rsqrt3A = math.rsqrt %add3A_29 : vector<256x1xf32>
    %mul3A = vector.broadcast %rsqrt3A : vector<256x1xf32> to vector<256x768xf32>
    %mul3A_30 = arith.mulf %sub3A_26, %mul3A : vector<256x768xf32>
    %mul3A_31 = vector.broadcast %get3A_11 : vector<1x768xf32> to vector<256x768xf32>
    %mul3A_32 = arith.mulf %mul3A_30, %mul3A_31 : vector<256x768xf32>
    %add3A_33 = vector.broadcast %get3A_14 : vector<1x768xf32> to vector<256x768xf32>
    %add3A_34 = arith.addf %mul3A_32, %add3A_33 : vector<256x768xf32>
    %swap3A = arith.constant 0 : index
    %swap3A_35 = arith.constant 0 : index
    %swap3A_36 = vector.load %arg9[%swap3A, %swap3A_35] : memref<256x768xf32, #tpu.memory_space<vmem>>, vector<256x768xf32>
    tpu.vector_store %arg9[%swap3A, %swap3A_35], %add3A_34 {strides = array<i32>} : memref<256x768xf32, #tpu.memory_space<vmem>>, vector<256x768xf32>,
    %get3A_37 = arith.constant 0 : index
    %get3A_38 = arith.constant 0 : index
    %get3A_39 = vector.load %arg6[%get3A_37, %get3A_38] : memref<512x768xf32, #tpu.memory_space<vmem>>, vector<512x768xf32>
    %dot_general3A_40 = arith.constant dense<0.000000e+00> : vector<256x512xf32>
    %dot_general3A_41 = tpu.matmul %add3A_34, %get3A_39, %dot_general3A_40 {dimension_numbers = #tpu.dot_dimension_numbers<[1], [1], [0], [0], [0, 0, 1, 0], [], []>, transpose_lhs_hint = false} : vector<256x768xf32>, vector<512x768xf32>, vector<256x512xf32> -> vector<256x512xf32>
    %mul3A_42 = arith.constant 5.000000e-01 : f32
    %mul3A_43 = vector.broadcast %mul3A_42 : f32 to vector<256x512xf32>
    %mul3A_44 = arith.mulf %mul3A_43, %dot_general3A_41 : vector<256x512xf32>
    %mul3A_45 = arith.constant 0.707106769 : f32
    %mul3A_46 = vector.broadcast %mul3A_45 : f32 to vector<256x512xf32>
    %mul3A_47 = arith.mulf %dot_general3A_41, %mul3A_46 : vector<256x512xf32>
    %erf3A = math.erf %mul3A_47 : vector<256x512xf32>
    %add3A_48 = arith.constant 1.000000e+00 : f32
    %add3A_49 = vector.broadcast %add3A_48 : f32 to vector<256x512xf32>
    %add3A_50 = arith.addf %add3A_49, %erf3A : vector<256x512xf32>
    %mul3A_51 = arith.mulf %mul3A_44, %add3A_50 : vector<256x512xf32>
    %get3A_52 = arith.constant 0 : index
    %get3A_53 = arith.constant 0 : index
    %get3A_54 = vector.load %arg7[%get3A_52, %get3A_53] : memref<768x512xf32, #tpu.memory_space<vmem>>, vector<768x512xf32>
    %dot_general3A_55 = arith.constant dense<0.000000e+00> : vector<256x768xf32>
    %dot_general3A_56 = tpu.matmul %mul3A_51, %get3A_54, %dot_general3A_55 {dimension_numbers = #tpu.dot_dimension_numbers<[1], [1], [0], [0], [0, 0, 1, 0], [], []>, transpose_lhs_hint = false} : vector<256x512xf32>, vector<768x512xf32>, vector<256x768xf32> -> vector<256x768xf32>
    %add3A_57 = arith.addf %dot_general3A_56, %get3A_1 : vector<256x768xf32>
    %swap3A_58 = arith.constant 0 : index
    %swap3A_59 = arith.constant 0 : index
    %swap3A_60 = vector.load %arg10[%swap3A_58, %swap3A_59] : memref<256x768xf32, #tpu.memory_space<vmem>>, vector<256x768xf32>
    tpu.vector_store %arg10[%swap3A_58, %swap3A_59], %add3A_57 {strides = array<i32>} : memref<256x768xf32, #tpu.memory_space<vmem>>, vector<256x768xf32>,
    %get3A_61 = arith.constant 0 : index
    %get3A_62 = arith.constant 0 : index
    %get3A_63 = vector.load %arg8[%get3A_61, %get3A_62] : memref<16x768xf32, #tpu.memory_space<vmem>>, vector<16x768xf32>
    %dot_general3A_64 = arith.constant dense<0.000000e+00> : vector<256x16xf32>
    %dot_general3A_65 = tpu.matmul %add3A_34, %get3A_63, %dot_general3A_64 {dimension_numbers = #tpu.dot_dimension_numbers<[1], [1], [0], [0], [0, 0, 1, 0], [], []>, transpose_lhs_hint = false} : vector<256x768xf32>, vector<16x768xf32>, vector<256x16xf32> -> vector<256x16xf32>
    %reduce_max3A = arith.constant dense<0xFF800000> : vector<256xf32>
    %reduce_max3A_66 = vector.multi_reduction <maximumf>, %dot_general3A_65, %reduce_max3A [1] : vector<256x16xf32> to vector<256xf32>
    %broadcast_in_dim3A_67 = vector.shape_cast %reduce_max3A_66 : vector<256xf32> to vector<256x1xf32>
    %sub3A_68 = vector.broadcast %broadcast_in_dim3A_67 : vector<256x1xf32> to vector<256x16xf32>
    %sub3A_69 = arith.subf %dot_general3A_65, %sub3A_68 : vector<256x16xf32>
    %exp3A = math.exp %sub3A_69 : vector<256x16xf32>
    %reduce_sum3A_70 = arith.constant dense<0.000000e+00> : vector<256xf32>
    %reduce_sum3A_71 = vector.multi_reduction <add>, %exp3A, %reduce_sum3A_70 [1] : vector<256x16xf32> to vector<256xf32>
    %broadcast_in_dim3A_72 = vector.shape_cast %reduce_sum3A_71 : vector<256xf32> to vector<256x1xf32>
    %div3A_73 = vector.broadcast %broadcast_in_dim3A_72 : vector<256x1xf32> to vector<256x16xf32>
    %div3A_74 = arith.divf %exp3A, %div3A_73 : vector<256x16xf32>
    %iota3A = tpu.iota {dimensions = array<i32: 1>} : vector<256x16xi32>
    %reduce_max3A_75 = arith.constant dense<0xFF800000> : vector<256xf32>
    %reduce_max3A_76 = vector.multi_reduction <maximumf>, %div3A_74, %reduce_max3A_75 [1] : vector<256x16xf32> to vector<256xf32>
    %broadcast_in_dim3A_77 = vector.shape_cast %reduce_max3A_76 : vector<256xf32> to vector<256x1xf32>
    %eq3A = vector.broadcast %broadcast_in_dim3A_77 : vector<256x1xf32> to vector<256x16xf32>
    %eq3A_78 = arith.cmpf oeq, %div3A_74, %eq3A : vector<256x16xf32>
    %jit3A = arith.constant 16 : i32
    %broadcast_in_dim3A_79 = vector.broadcast %jit3A : i32 to vector<256x16xi32>
    %select_n3A = arith.select %eq3A_78, %iota3A, %broadcast_in_dim3A_79 : vector<256x16xi1>, vector<256x16xi32>
    %reduce_min3A = arith.constant dense<2147483647> : vector<256xi32>
    %reduce_min3A_80 = vector.multi_reduction <minsi>, %select_n3A, %reduce_min3A [1] : vector<256x16xi32> to vector<256xi32>
    %broadcast_in_dim3A_81 = vector.shape_cast %reduce_min3A_80 : vector<256xi32> to vector<256x1xi32>
    %eq3A_82 = vector.broadcast %broadcast_in_dim3A_81 : vector<256x1xi32> to vector<256x16xi32>
    %eq3A_83 = arith.cmpi eq, %iota3A, %eq3A_82 : vector<256x16xi32>
    %jit3A_84 = arith.constant -1.000000e+00 : f32
    %broadcast_in_dim3A_85 = vector.broadcast %jit3A_84 : f32 to vector<256x16xf32>
    %select_n3A_86 = arith.select %eq3A_83, %broadcast_in_dim3A_85, %div3A_74 : vector<256x16xi1>, vector<256x16xf32>
    %reduce_max3A_87 = arith.constant dense<0xFF800000> : vector<256xf32>
    %reduce_max3A_88 = vector.multi_reduction <maximumf>, %select_n3A_86, %reduce_max3A_87 [1] : vector<256x16xf32> to vector<256xf32>
    %broadcast_in_dim3A_89 = vector.shape_cast %reduce_max3A_88 : vector<256xf32> to vector<256x1xf32>
    %eq3A_90 = vector.broadcast %broadcast_in_dim3A_89 : vector<256x1xf32> to vector<256x16xf32>
    %eq3A_91 = arith.cmpf oeq, %div3A_74, %eq3A_90 : vector<256x16xf32>
    %ne3A = vector.broadcast %broadcast_in_dim3A_81 : vector<256x1xi32> to vector<256x16xi32>
    %ne3A_92 = arith.cmpi ne, %iota3A, %ne3A : vector<256x16xi32>
    %and3A = arith.andi %eq3A_91, %ne3A_92 : vector<256x16xi1>
    %jit3A_93 = arith.constant 16 : i32
    %broadcast_in_dim3A_94 = vector.broadcast %jit3A_93 : i32 to vector<256x16xi32>
    %select_n3A_95 = arith.select %and3A, %iota3A, %broadcast_in_dim3A_94 : vector<256x16xi1>, vector<256x16xi32>
    %reduce_min3A_96 = arith.constant dense<2147483647> : vector<256xi32>
    %reduce_min3A_97 = vector.multi_reduction <minsi>, %select_n3A_95, %reduce_min3A_96 [1] : vector<256x16xi32> to vector<256xi32>
    %broadcast_in_dim3A_98 = vector.shape_cast %reduce_min3A_97 : vector<256xi32> to vector<256x1xi32>
    %eq3A_99 = vector.broadcast %broadcast_in_dim3A_81 : vector<256x1xi32> to vector<256x16xi32>
    %eq3A_100 = arith.cmpi eq, %iota3A, %eq3A_99 : vector<256x16xi32>
    %eq3A_101 = vector.broadcast %broadcast_in_dim3A_98 : vector<256x1xi32> to vector<256x16xi32>
    %eq3A_102 = arith.cmpi eq, %iota3A, %eq3A_101 : vector<256x16xi32>
    %or3A = arith.ori %eq3A_100, %eq3A_102 : vector<256x16xi1>
    %jit3A_103 = arith.constant 0.000000e+00 : f32
    %broadcast_in_dim3A_104 = vector.broadcast %jit3A_103 : f32 to vector<256x16xf32>
    %select_n3A_105 = arith.select %or3A, %div3A_74, %broadcast_in_dim3A_104 : vector<256x16xi1>, vector<256x16xf32>
    %swap3A_106 = arith.constant 0 : index
    %swap3A_107 = arith.constant 0 : index
    %swap3A_108 = vector.load %arg11[%swap3A_106, %swap3A_107] : memref<256x16xf32, #tpu.memory_space<vmem>>, vector<256x16xf32>
    tpu.vector_store %arg11[%swap3A_106, %swap3A_107], %select_n3A_105 {strides = array<i32>} : memref<256x16xf32, #tpu.memory_space<vmem>>, vector<256x16xf32>,
    return
  }
  func.func @transform_0(%arg0: i32) -> (i32, i32) {
    %c0_i32 = arith.constant 0 : i32
    %c0_i32_0 = arith.constant 0 : i32
    return %arg0, %c0_i32 : i32, i32
  }
  func.func @transform_1(%arg0: i32) -> (i32, i32) {
    %c0_i32 = arith.constant 0 : i32
    %c0_i32_0 = arith.constant 0 : i32
    return %arg0, %c0_i32 : i32, i32
  }
  func.func @transform_2(%arg0: i32) -> (i32, i32) {
    %c0_i32 = arith.constant 0 : i32
    %c0_i32_0 = arith.constant 0 : i32
    %c0_i32_1 = arith.constant 0 : i32
    return %c0_i32, %c0_i32_0 : i32, i32
  }
  func.func @transform_3(%arg0: i32) -> (i32, i32) {
    %c0_i32 = arith.constant 0 : i32
    %c0_i32_0 = arith.constant 0 : i32
    %c0_i32_1 = arith.constant 0 : i32
    return %c0_i32, %c0_i32_0 : i32, i32
  }
  func.func @transform_4(%arg0: i32) -> (i32, i32) {
    %c0_i32 = arith.constant 0 : i32
    %c0_i32_0 = arith.constant 0 : i32
    %c0_i32_1 = arith.constant 0 : i32
    return %c0_i32, %c0_i32_0 : i32, i32
  }
  func.func @transform_5(%arg0: i32) -> (i32, i32) {
    %c0_i32 = arith.constant 0 : i32
    %c0_i32_0 = arith.constant 0 : i32
    %c0_i32_1 = arith.constant 0 : i32
    return %c0_i32, %c0_i32_0 : i32, i32
  }
  func.func @transform_6(%arg0: i32) -> (i32, i32) {
    %c0_i32 = arith.constant 0 : i32
    %c0_i32_0 = arith.constant 0 : i32
    %c0_i32_1 = arith.constant 0 : i32
    return %c0_i32, %c0_i32_0 : i32, i32
  }
  func.func @transform_7(%arg0: i32) -> (i32, i32) {
    %c0_i32 = arith.constant 0 : i32
    %c0_i32_0 = arith.constant 0 : i32
    %c0_i32_1 = arith.constant 0 : i32
    return %c0_i32, %c0_i32_0 : i32, i32
  }
  func.func @transform_8(%arg0: i32) -> (i32, i32) {
    %c0_i32 = arith.constant 0 : i32
    %c0_i32_0 = arith.constant 0 : i32
    return %arg0, %c0_i32 : i32, i32
  }
  func.func @transform_9(%arg0: i32) -> (i32, i32) {
    %c0_i32 = arith.constant 0 : i32
    %c0_i32_0 = arith.constant 0 : i32
    return %arg0, %c0_i32 : i32, i32
  }
  func.func @transform_10(%arg0: i32) -> (i32, i32) {
    %c0_i32 = arith.constant 0 : i32
    %c0_i32_0 = arith.constant 0 : i32
    return %arg0, %c0_i32 : i32, i32
  }
}

</mosaic_0001>

<sc_bundles>
// kernel: kernel.7.cloned.1.call-start
scs
__scs_entry_jumppad:
0x0: {  	(pc) =	sbr.rel $0x88, $3  }
0x1: {  	(tag) =	ssettag $0x0;
	lr =	simm.s32 $0x1  }
0x2: {  	[smem:$0x3F93] =	sst lr;
	_ =	strace $0xD0000000  }
0x3: {  	_ = 	snop  }
0x4: {  	_ = 	snop  }
0x5: {  	_ = 	snop  }
0x6: {  	_ = 	snop  }
0x7: {  	_ = 	snop  }
__scs_overlays_trampoline_lowered:
0x8: {  	[smem:$0x3FA2] =	sst s0  }
0x9: {  	[smem:$0x3FA3] =	sst s1  }
0xa: {  	[smem:$0x3FA4] =	sst s2  }
0xb: {  	[smem:$0x3FA5] =	sst s3  }
0xc: {  	[smem:$0x3FA6] =	sst s4  }
0xd: {  	[smem:$0x3FA7] =	sst s5  }
0xe: {  	[smem:$0x3FA8] =	sst s6  }
0xf: {  	[smem:$0x3FA9] =	sst s7  }
0x10: {  	[smem:$0x3FAA] =	sst s8  }
0x11: {  	[smem:$0x3FAB] =	sst s9;
	s0 =	simm.s32 @!p0 $0x0  }
0x12: {  	s1 =	sld [smem:$0x3F91];
	s0 =	simm.s32 @p0 $0x1  }
0x13: {  	[smem:$0x3FAC] =	sst s0;
	s0 =	simm.s32 @!p1 $0x0  }
0x14: {  	s2 =	sld [smem:$0x3F90];
	s0 =	simm.s32 @p1 $0x1  }
0x15: {  	[smem:$0x3FAD] =	sst s0;
	s0 =	simm.s32 @!p2 $0x0  }
0x16: {  	s3 =	sld [smem:$0x3FDB];
	s0 =	simm.s32 @p2 $0x1  }
0x17: {  	s4 =	simm.s32 $0x1BF5;
	[smem:$0x3FAF] =	sst s0  }
0x18: {  	s0 =	sld [smem:$0x3F92];
	_ =	swait.ge [sflag:s4], $0x0  }
0x19: {  	s7 =	sld [smem:$0x3F93]  }
0x1a: {  	s8 =	sadd.s32 $0xFFFFE003, lr  }
0x1b: {  	s9 =	sadd.s32 $0xFFFFFEF7, lr;
	s5 =	simm.s32 $0xFFFFFFFF;
	p2 =	slt.u32 s8, $0xFFFFF086  }
0x1c: {  	p1 =	slt.u32 s9, $0xF7A;
	s5 =	simm.s32 @!p2 $0x0  }
0x1d: {  	s5 =	simm.s32 @p1 $0x1;
	p0 =	seq.s32 s7, s2  }
0x1e: {  	s7 =	smul.u32 @!p0 $0xF7A, s2;
	p2 =	seq.s32 @!p0 s5, $0x0  }
0x1f: {  	s9 =	smul.u32 $0xF7A, s1;
	s8 =	simm.s32 @!p0 $0x1BF5;
	p2 =	por !p2, p0  }
0x20: {  	[sflag:s8] =	ssyncset.s32 @!p0 $0xFFFFF086;
	s6 =	sadd.s32 @!p0 s3, s7;
	s7 =	simm.s32 @!p0 $0x108  }
0x21: {  	s3 =	sadd.s32 s3, s9;
	s6 =	sadd.s32 @!p0 $0x88, s6;
	s7 =	simm.s32 @p2 $0x1082  }
0x22: {  	[simem:s7], [sflag:s8] =	dma.local @!p0 [hbm:s6], $0xF7A  }
0x23: {  	s9 =	sor.u32 $0xD0000000, s2;
	s6 =	simm.s32 $0x108;
	_ =	swait.ge @!p0 [sflag:s8], $0x0  }
0x24: {  	s3 =	sadd.s32 $0x88, s3;
	s6 =	simm.s32 @!p1 $0x1082;
	[sflag:s4] =	ssyncset.s32 $0xFFFFF086  }
0x25: {  	[simem:s6], [sflag:s4] =	dma.local [hbm:s3], $0xF7A  }
0x26: {  	[smem:$0x3F93] =	sst s1;
	(tag) =	ssettag s2;
	_ =	strace s9  }
0x27: {  	s1 =	sld [smem:$0x3FA3]  }
0x28: {  	s2 =	sld [smem:$0x3FA4]  }
0x29: {  	s4 =	sld [smem:$0x3FA6]  }
0x2a: {  	p0 =	seq.s32 s5, $0x0;
	s5 =	sld [smem:$0x3FA7]  }
0x2b: {  	s6 =	sld [smem:$0x3FA8]  }
0x2c: {  	s7 =	sld [smem:$0x3FA9]  }
0x2d: {  	s3 =	simm.s32 $0x108;
	s8 =	sld [smem:$0x3FAA]  }
0x2e: {  	s3 =	simm.s32 @!p0 $0x1082;
	s9 =	sld [smem:$0x3FAB]  }
0x2f: {  	lr =	sadd.s32 s0, s3;
	s0 =	sld [smem:$0x3FA2]  }
0x30: {  	s3 =	sld [smem:$0x3FA5]  }
0x31: {  	[smem:$0x3FAE] =	sst s10  }
0x32: {  	s10 =	sld [smem:$0x3FAC];
	_ =	sdelay $0x3  }
0x33: {  	p0 =	seq.s32 s10, $0x1;
	s10 =	sld [smem:$0x3FAE];
	_ =	sdelay $0x3  }
0x34: {  	[smem:$0x3FAE] =	sst s10  }
0x35: {  	s10 =	sld [smem:$0x3FAD];
	_ =	sdelay $0x3  }
0x36: {  	p1 =	seq.s32 s10, $0x1;
	s10 =	sld [smem:$0x3FAE];
	_ =	sdelay $0x3  }
0x37: {  	[smem:$0x3FAE] =	sst s10  }
0x38: {  	s10 =	sld [smem:$0x3FAF]  }
0x39: {  	_ = 	snop;
	(pc) =	sbr.ind lr, $3  }
0x3a: {  	_ = 	snop  }
0x3b: {  	_ = 	snop  }
0x3c: {  	p2 =	seq.s32 s10, $0x1;
	s10 =	sld [smem:$0x3FAE]  }
0x3d: {  	_ =	shalt  }
0x3e: {  	_ =	shalt  }
0x3f: {  	_ =	shalt  }
0x40: {  	_ =	shalt  }
0x41: {  	_ =	shalt  }
0x42: {  	_ =	shalt  }
0x43: {  	_ =	shalt  }
0x44: {  	_ =	shalt  }
0x45: {  	_ =	shalt  }
0x46: {  	_ =	shalt  }
0x47: {  	_ =	shalt  }
0x48: {  	_ =	shalt  }
0x49: {  	_ =	shalt  }
0x4a: {  	_ =	shalt  }
0x4b: {  	_ =	shalt  }
0x4c: {  	_ =	shalt  }
0x4d: {  	_ =	shalt  }
0x4e: {  	_ =	shalt  }
0x4f: {  	_ =	shalt  }
0x50: {  	_ =	shalt  }
0x51: {  	_ =	shalt  }
0x52: {  	_ =	shalt  }
0x53: {  	_ =	shalt  }
0x54: {  	_ =	shalt  }
0x55: {  	_ =	shalt  }
0x56: {  	_ =	shalt  }
0x57: {  	_ =	shalt  }
0x58: {  	_ =	shalt  }
0x59: {  	_ =	shalt  }
0x5a: {  	_ =	shalt  }
0x5b: {  	_ =	shalt  }
0x5c: {  	_ =	shalt  }
0x5d: {  	_ =	shalt  }
0x5e: {  	_ =	shalt  }
0x5f: {  	_ =	shalt  }
0x60: {  	_ =	shalt  }
0x61: {  	_ =	shalt  }
0x62: {  	_ =	shalt  }
0x63: {  	_ =	shalt  }
0x64: {  	_ =	shalt  }
0x65: {  	_ =	shalt  }
0x66: {  	_ =	shalt  }
0x67: {  	_ =	shalt  }
0x68: {  	_ =	shalt  }
0x69: {  	_ =	shalt  }
0x6a: {  	_ =	shalt  }
0x6b: {  	_ =	shalt  }
0x6c: {  	_ =	shalt  }
0x6d: {  	_ =	shalt  }
0x6e: {  	_ =	shalt  }
0x6f: {  	_ =	shalt  }
0x70: {  	_ =	shalt  }
0x71: {  	_ =	shalt  }
0x72: {  	_ =	shalt  }
0x73: {  	_ =	shalt  }
0x74: {  	_ =	shalt  }
0x75: {  	_ =	shalt  }
0x76: {  	_ =	shalt  }
0x77: {  	_ =	shalt  }
0x78: {  	_ =	shalt  }
0x79: {  	_ =	shalt  }
0x7a: {  	_ =	shalt  }
0x7b: {  	_ =	shalt  }
0x7c: {  	_ =	shalt  }
0x7d: {  	_ =	shalt  }
0x7e: {  	_ =	shalt  }
0x7f: {  	_ =	shalt  }
0x80: {  	_ =	shalt  }
0x81: {  	_ =	shalt  }
0x82: {  	_ =	shalt  }
0x83: {  	_ =	shalt  }
0x84: {  	_ =	shalt  }
0x85: {  	_ =	shalt  }
0x86: {  	_ =	shalt  }
0x87: {  	_ =	shalt  }
.Lfunc_end0:
.L_simem_size_0:
called_computation_lowered:
.L_overlay_start_0:
0x88: {  	s2 =	sld [smem:$0x3FD9]  }
0x89: {  	s3 =	sld [smem:$0x3FFE];
	_ =	sdelay $0x1  }
0x8a: {  	s1 =	srdreg.scid  }
0x8b: {  	s0 =	sand.u32 $0x1, s1  }
0x8c: {  	s18 =	sshll.u32 s0, $0xA;
	s2 =	sadd.s32 s3, s2  }
0x8d: {  	s2 =	sadd.s32 s2, s18  }
0x8e: {  	[smem:$0x3FBA] =	sst s2  }
0x8f: {  	_ = 	snop  }
0x90: {  	s2 =	sld [smem:$0x3FC9]  }
0x91: {  	s19 =	sld [smem:$0x3FC8]  }
0x92: {  	s4 =	sld [smem:$0x3FD0];
	(tm) =	ssettm $0x1  }
0x93: {  	s5 =	sld [smem:$0x3FFB];
	_ =	sdelay $0x3  }
0x94: {  	_ =	strace s5  }
0x95: {  	s5 =	sld [smem:$0x3FFC];
	_ =	sdelay $0x3  }
0x96: {  	_ =	strace s5  }
0x97: {  	s5 =	sld [smem:$0x3FFD];
	_ =	sdelay $0x3  }
0x98: {  	_ =	strace s5  }
0x99: {  	_ =	strace $0x8FFFFFFF  }
0x9a: {  	s20 =	sld [smem:$0x3FDB];
	_ =	sdelay $0x1  }
0x9b: {  	s6 =	simm.s32 $_scs_section_size  }
0x9c: {  	s7 =	simm.s32 $_size__tile_overlayer_lowered;
	s8 =	simm.s32 $_tile_overlayer_lowered  }
0x9d: {  	s23 =	simm.s32 $0x1BFF;
	s22 =	sshll.u32 s8, $0x1;
	s5 =	sadd.s32 s6, s20  }
0x9e: {  	s9 =	simm.s32 $0x0;
	s21 =	sshll.u32 s7, $0x1;
	s7 =	sadd.s32 s22, s5  }
0x9f: {  	[timem:s9], [sflag:s23] =	dma.local [hbm:s7], s21  }
0xa0: {  	_ =	swait.ge [sflag:s23], s21  }
0xa1: {  	s6 =	ssub.s32 $0x0, s21;
	[sflag:s23] =	ssyncset.done $0x0  }
0xa2: {  	[sflag:s23] =	ssyncadd.s32 s6;
	_ =	sdelay $0x1  }
0xa3: {  	s24 =	simm.s32 $0x1B8B  }
0xa4: {  	_ =	swait.ge [sflag:s24], $0x1  }
0xa5: {  	[sflag:s24] =	ssyncset.done $0x0  }
0xa6: {  	s25 =	simm.s32 $0x1B8E;
	[sflag:s24] =	ssyncadd.s32 $0xFFFFFFFF  }
0xa7: {  	s26 =	simm.s32 $execute0_lowered;
	[smem:$0x3FD2] =	sst s25  }
0xa8: {  	s6 =	sshll.u32 s26, $0x1;
	_ =	strace $0x80000046;
	[dreg:$0x1] =	wrdreg $0xFFFFFFFF  }
0xa9: {  	s28 =	simm.s32 $_size_execute0_lowered;
	s5 =	sadd.s32 s5, s6;
	[dreg:$0x0] =	wrdreg $0x0  }
0xaa: {  	s6 =	sshll.u32 s28, $0x1;
	[dreg:$0x2] =	wrdreg s5  }
0xab: {  	[dreg:$0x3] =	wrdreg s6  }
0xac: {  	[dreg:$0x4] =	wrdreg $0xC0  }
0xad: {  	_ =	task [dreg:s9], $0x5FFFF  }
0xae: {  	[dreg:$0x1] =	wrdreg $0xFFFFFFFF  }
0xaf: {  	[dreg:$0x0] =	wrdreg $0x60  }
0xb0: {  	[dreg:$0x2] =	wrdreg s19  }
0xb1: {  	[dreg:$0x3] =	wrdreg s2  }
0xb2: {  	[dreg:$0x4] =	wrdreg s4  }
0xb3: {  	[dreg:$0x5] =	wrdreg $0x9  }
0xb4: {  	_ =	task.clear_ibuf [dreg:s9], $0x6FFFF;
	_ =	strace $0x90000046  }
0xb5: {  	s29 =	simm.s32 $0x9;
	_ =	strace $0x80000048  }
0xb6: {  	_ =	swait.ge [sflag:s29], $0x1  }
0xb7: {  	[sflag:s29] =	ssyncadd.s32 $0xFFFFFFFF  }
0xb8: {  	_ =	strace $0x90000048  }
0xb9: {  	_ =	sfence  }
0xba: {  	s30 =	sld [smem:$0x0];
	_ =	sdelay $0x2  }
0xbb: {  	s31 =	sshll.u32 s1, $0xD;
	s1 =	sshrl.u32 s1, $0x2  }
0xbc: {  	s3 =	sand.u32 $0x4000, s31;
	s1 =	sadd.s32 s1, s30  }
0xbd: {  	s0 =	sor.u32 s3, s0;
	s1 =	sshll.u32 s1, $0x11  }
0xbe: {  	s0 =	sor.u32 s1, s0  }
0xbf: {  	s0 =	sadd.s32 $0x8F2B, s0  }
0xc0: {  	[sflag:s0] =	ssyncadd.remote.s32 $0x1  }
0xc1: {  	_ =	sfence.sel $0xFFFF  }
0xc2: {  	[dreg:$0x0] =	wrdreg $0xFFFFFFFF;
	(pc) =	sbr.abs _section_cstart, $3  }
0xc3: {  	[dreg:$0x1] =	wrdreg $0xFFFFFFFF  }
0xc4: {  	_ =	task.clear_ibuf [dreg:s9], $0x2FFFF;
	_ =	strace $0x9FFFFFFF  }
0xc5: {  	(tm) =	ssettm $0x7FFFFFFF  }
tec
execute0_lowered:
.L_overlay_start_1:
0x0: {  	(tag) =	ssettag $0x1  }
0x1: {  	s2 =	rddreg [dreg:$0x0]  }
0x2: {  	s0 =	rddreg [dreg:$0x1];
	s3 =	srdreg.scid  }
0x3: {  	s5 =	rddreg [dreg:$0x2];
	s1 =	stileid.u32  }
0x4: {  	s26 =	simm.s32 $0x880;
	s9 =	simm.s32 $0x1080;
	s10 =	simm.s32 $0x1880  }
0x5: {  	s11 =	simm.s32 $0x2080;
	s12 =	simm.s32 $0x2880;
	s13 =	simm.s32 $0x3080  }
0x6: {  	s14 =	simm.s32 $0x3880;
	s15 =	simm.s32 $0x4080;
	s16 =	simm.s32 $0x4880  }
0x7: {  	s17 =	simm.s32 $0x5080;
	s18 =	simm.s32 $0x5880;
	s19 =	simm.s32 $0x6080  }
0x8: {  	s20 =	simm.s32 $0x6880;
	s21 =	simm.s32 $0x7080;
	s22 =	simm.s32 $0x7880  }
0x9: {  	s23 =	simm.s32 $0x8080;
	s28 =	simm.s32 $0xA080;
	s29 =	simm.s32 $0xA880  }
0xa: {  	s30 =	simm.s32 $0xB080;
	s31 =	simm.s32 $0xB880;
	s4 =	sand.u32 $0x1, s3  }
0xb: {  	s6 =	sshll.u32 s1, $0x4;
	s3 =	simm.s32 $0x0;
	s7 =	sshll.u32 s4, $0x3  }
0xc: {  	s4 =	ssub.s32 $0x2, s4;
	[smem:$0x7FF] =	sst s3;
	s6 =	sor.u32 s7, s6  }
0xd: {  	s24 =	sshrl.u32 s4, $0x1;
	_ =	strace $0x80000047;
	[dreg:$0x6] =	wrdreg s26  }
0xe: {  	s26 =	simm.s32 $0x9880;
	s8 =	smul.u32 $0x300, s6;
	s7 =	ssub.s32 s4, s24  }
0xf: {  	s0 =	sadd.s32 s0, s6;
	s4 =	sadd.s32 $0x100, s2;
	s24 =	simm.s32 $0x8880  }
0x10: {  	v2 =	vlaneseq.u32;
	[dreg:$0x4] =	wrdreg s0;
	s6 =	smax.u32 s7, $0x1;
	s7 =	simm.s32 $0x2  }
0x11: {  	vm0 =	vmmov $0xffff;
	v1 =	vshrl.u32 v2, $0x3;
	s0 =	simm.s32 $0x1;
	s25 =	sadd.s32 s5, s8;
	s5 =	sadd.s32 $0x200, s2  }
0x12: {  	v0 =	vand.u32 $0x7, v2;
	v2 =	vor.u32 $0x8, v2;
	v1 =	vmul.u32 $0x8, v1;
	s8 =	simm.s32 $0x80;
	[dreg:$0x5] =	wrdreg s25;
	s25 =	simm.s32 $0x9080  }
.LBB2_1:
0x13: {  	s1 =	rddreg [dreg:$0x4]  }
0x14: {  	[tilespmem:s3], [sflag:$0x2] =	stream.linear.gather [hbm4b:s1+s3], $0x40, $0x38;
	[tilespmem:$0xC080] =	vst v63  }
0x15: {  	_ =	swait.ge [sflag:s7], $0x40  }
0x16: {  	[sflag:s7] =	ssyncset.done $0x0  }
0x17: {  	[sflag:s7] =	ssyncadd.s32 $0xFFFFFFC0  }
0x18: {  	v3 =	vld [tilespmem:$0x0];
	_ =	sdelay $0x4  }
0x19: {  	v4 =	vshrl.u32 v3, $0x3  }
0x1a: {  	v4 =	vmul.u32 $0x30, v4  }
0x1b: {  	v3 =	vand.u32 $0x7, v3  }
0x1c: {  	v3 =	vor.u32 v3, v4  }
0x1d: {  	v4 =	vperm.xlane v3, v0;
	_ =	sdelay $0x1  }
0x1e: {  	v4 =	vadd.s32 v1, v4;
	_ =	sdelay $0x3  }
0x1f: {  	v3 =	vperm.xlane v3, v2  }
0x20: {  	[tilespmem:s8], [sflag:$0x1] =	stream.indirect_vreg.gather [hbm4b:s2+s3], $0x80, v4, vm0, $0xb8;
	[tilespmem:$0xC080] =	vst v63  }
0x21: {  	s1 =	rddreg [dreg:$0x6];
	v3 =	vadd.s32 v1, v3  }
0x22: {  	[tilespmem:s1], [sflag:$0x1] =	stream.indirect_vreg.gather [hbm4b:s4+s3], $0x80, v4, vm0, $0xb8;
	[tilespmem:$0xC080] =	vst v63  }
0x23: {  	_ = 	snop  }
0x24: {  	[tilespmem:s9], [sflag:$0x1] =	stream.indirect_vreg.gather [hbm4b:s5+s3], $0x80, v4, vm0, $0xb8;
	[tilespmem:$0xC080] =	vst v63  }
0x25: {  	_ = 	snop  }
0x26: {  	[tilespmem:s10], [sflag:$0x1] =	stream.indirect_vreg.gather [hbm4b:s2+s3], $0x80, v3, vm0, $0xb8;
	[tilespmem:$0xC080] =	vst v63  }
0x27: {  	_ = 	snop  }
0x28: {  	[tilespmem:s11], [sflag:$0x1] =	stream.indirect_vreg.gather [hbm4b:s4+s3], $0x80, v3, vm0, $0xb8;
	[tilespmem:$0xC080] =	vst v63  }
0x29: {  	_ = 	snop  }
0x2a: {  	[tilespmem:s12], [sflag:$0x1] =	stream.indirect_vreg.gather [hbm4b:s5+s3], $0x80, v3, vm0, $0xb8;
	[tilespmem:$0xC080] =	vst v63  }
0x2b: {  	v3 =	vld [tilespmem:$0x10];
	_ =	sdelay $0x4  }
0x2c: {  	v61 =	vshrl.u32 v3, $0x3  }
0x2d: {  	v4 =	vmul.u32 $0x30, v61  }
0x2e: {  	v3 =	vand.u32 $0x7, v3  }
0x2f: {  	v3 =	vor.u32 v3, v4  }
0x30: {  	v4 =	vperm.xlane v3, v0;
	_ =	sdelay $0x1  }
0x31: {  	v4 =	vadd.s32 v1, v4;
	_ =	sdelay $0x3  }
0x32: {  	v3 =	vperm.xlane v3, v2  }
0x33: {  	[tilespmem:s13], [sflag:$0x1] =	stream.indirect_vreg.gather [hbm4b:s2+s3], $0x80, v4, vm0, $0xb8;
	[tilespmem:$0xC080] =	vst v63  }
0x34: {  	v3 =	vadd.s32 v1, v3  }
0x35: {  	[tilespmem:s14], [sflag:$0x1] =	stream.indirect_vreg.gather [hbm4b:s4+s3], $0x80, v4, vm0, $0xb8;
	[tilespmem:$0xC080] =	vst v63  }
0x36: {  	_ = 	snop  }
0x37: {  	[tilespmem:s15], [sflag:$0x1] =	stream.indirect_vreg.gather [hbm4b:s5+s3], $0x80, v4, vm0, $0xb8;
	[tilespmem:$0xC080] =	vst v63  }
0x38: {  	_ = 	snop  }
0x39: {  	[tilespmem:s16], [sflag:$0x1] =	stream.indirect_vreg.gather [hbm4b:s2+s3], $0x80, v3, vm0, $0xb8;
	[tilespmem:$0xC080] =	vst v63  }
0x3a: {  	_ = 	snop  }
0x3b: {  	[tilespmem:s17], [sflag:$0x1] =	stream.indirect_vreg.gather [hbm4b:s4+s3], $0x80, v3, vm0, $0xb8;
	[tilespmem:$0xC080] =	vst v63  }
0x3c: {  	_ = 	snop  }
0x3d: {  	[tilespmem:s18], [sflag:$0x1] =	stream.indirect_vreg.gather [hbm4b:s5+s3], $0x80, v3, vm0, $0xb8;
	[tilespmem:$0xC080] =	vst v63  }
0x3e: {  	v3 =	vld [tilespmem:$0x20];
	_ =	sdelay $0x4  }
0x3f: {  	v62 =	vshrl.u32 v3, $0x3  }
0x40: {  	v4 =	vmul.u32 $0x30, v62  }
0x41: {  	v3 =	vand.u32 $0x7, v3  }
0x42: {  	v3 =	vor.u32 v3, v4  }
0x43: {  	v4 =	vperm.xlane v3, v0;
	_ =	sdelay $0x1  }
0x44: {  	v4 =	vadd.s32 v1, v4;
	_ =	sdelay $0x3  }
0x45: {  	v3 =	vperm.xlane v3, v2  }
0x46: {  	[tilespmem:s19], [sflag:$0x1] =	stream.indirect_vreg.gather [hbm4b:s2+s3], $0x80, v4, vm0, $0xb8;
	[tilespmem:$0xC080] =	vst v63  }
0x47: {  	v3 =	vadd.s32 v1, v3  }
0x48: {  	[tilespmem:s20], [sflag:$0x1] =	stream.indirect_vreg.gather [hbm4b:s4+s3], $0x80, v4, vm0, $0xb8;
	[tilespmem:$0xC080] =	vst v63  }
0x49: {  	_ = 	snop  }
0x4a: {  	[tilespmem:s21], [sflag:$0x1] =	stream.indirect_vreg.gather [hbm4b:s5+s3], $0x80, v4, vm0, $0xb8;
	[tilespmem:$0xC080] =	vst v63  }
0x4b: {  	_ = 	snop  }
0x4c: {  	[tilespmem:s22], [sflag:$0x1] =	stream.indirect_vreg.gather [hbm4b:s2+s3], $0x80, v3, vm0, $0xb8;
	[tilespmem:$0xC080] =	vst v63  }
0x4d: {  	_ = 	snop  }
0x4e: {  	[tilespmem:s23], [sflag:$0x1] =	stream.indirect_vreg.gather [hbm4b:s4+s3], $0x80, v3, vm0, $0xb8;
	[tilespmem:$0xC080] =	vst v63  }
0x4f: {  	_ = 	snop  }
0x50: {  	[tilespmem:s24], [sflag:$0x1] =	stream.indirect_vreg.gather [hbm4b:s5+s3], $0x80, v3, vm0, $0xb8;
	[tilespmem:$0xC080] =	vst v63  }
0x51: {  	v3 =	vld [tilespmem:$0x30];
	_ =	sdelay $0x4  }
0x52: {  	v63 =	vshrl.u32 v3, $0x3  }
0x53: {  	v4 =	vmul.u32 $0x30, v63  }
0x54: {  	v3 =	vand.u32 $0x7, v3  }
0x55: {  	v3 =	vor.u32 v3, v4  }
0x56: {  	v4 =	vperm.xlane v3, v0;
	_ =	sdelay $0x1  }
0x57: {  	v4 =	vadd.s32 v1, v4;
	_ =	sdelay $0x3  }
0x58: {  	v3 =	vperm.xlane v3, v2  }
0x59: {  	[tilespmem:s25], [sflag:$0x1] =	stream.indirect_vreg.gather [hbm4b:s2+s3], $0x80, v4, vm0, $0xb8;
	[tilespmem:$0xC080] =	vst v63  }
0x5a: {  	v3 =	vadd.s32 v1, v3  }
0x5b: {  	[tilespmem:s26], [sflag:$0x1] =	stream.indirect_vreg.gather [hbm4b:s4+s3], $0x80, v4, vm0, $0xb8;
	[tilespmem:$0xC080] =	vst v63  }
0x5c: {  	_ = 	snop  }
0x5d: {  	[tilespmem:s28], [sflag:$0x1] =	stream.indirect_vreg.gather [hbm4b:s5+s3], $0x80, v4, vm0, $0xb8;
	[tilespmem:$0xC080] =	vst v63  }
0x5e: {  	_ = 	snop  }
0x5f: {  	[tilespmem:s29], [sflag:$0x1] =	stream.indirect_vreg.gather [hbm4b:s2+s3], $0x80, v3, vm0, $0xb8;
	[tilespmem:$0xC080] =	vst v63  }
0x60: {  	_ = 	snop  }
0x61: {  	[tilespmem:s30], [sflag:$0x1] =	stream.indirect_vreg.gather [hbm4b:s4+s3], $0x80, v3, vm0, $0xb8;
	[tilespmem:$0xC080] =	vst v63  }
0x62: {  	_ = 	snop  }
0x63: {  	[tilespmem:s31], [sflag:$0x1] =	stream.indirect_vreg.gather [hbm4b:s5+s3], $0x80, v3, vm0, $0xb8;
	[tilespmem:$0xC080] =	vst v63  }
0x64: {  	_ =	swait.ge [sflag:s0], $0xC000  }
0x65: {  	p0 =	sne.s32 s6, $0x1;
	[sflag:s0] =	ssyncset.done $0x0  }
.Ltmp0:
0x66: {  	s1 =	rddreg [dreg:$0x5];
	[sflag:s0] =	ssyncadd.s32 $0xFFFF4000;
	(pc) =	sbr.rel @p0 .LBB2_1-.Ltmp0, $4  }
0x67: {  	[hbm4b:s1+s3] =	stream.linear.scatter [tilespmem:s8], [sflag:$0x2], $0xC000, $0x38;
	[tilespmem:$0xC080] =	vst v63  }
0x68: {  	_ =	swait.ge [sflag:s7], $0xC000  }
0x69: {  	[sflag:s7] =	ssyncset.done $0x0  }
0x6a: {  	s6 =	sadd.s32 $0xFFFFFFFF, s6;
	[sflag:s7] =	ssyncadd.s32 $0xFFFF4000  }
0x6b: {  	_ =	sfence.sel $0x180000  }
0x6c: {  	[bflag:$0x0] =	sbarrier.arrive $0xFFFF  }
0x6d: {  	_ =	strace $0x90000047  }
0x6e: {  	s0 =	stileid.u32;
	[bflag:$0x2] =	sbarrier.arrive $0xFFFF  }
0x6f: {  	p0 =	sne.s32 s0, $0x0;
	s0 =	rddreg [dreg:$0x3]  }
0x70: {  	s0 =	sadd.s32 @!p0 $0x100000, s0  }
0x71: {  	[sflag:s0] =	ssyncadd.tile.s32 @!p0 $0x1;
	_ =	shalt  }
.Lfunc_end2:
_tile_overlayer_lowered:
.L_overlay_start_2:
0x72: {  	(tag) =	ssettag $0x2  }
0x73: {  	s0 =	rddreg [dreg:$0x0];
	s2 =	stileid.u32  }
0x74: {  	s1 =	rddreg [dreg:$0x1];
	p0 =	sne.s32 s2, $0x0  }
0x75: {  	s3 =	rddreg [dreg:$0x2];
	[bflag:$0x3] =	sbarrier.arrive $0xFFFF;
	s2 =	simm.s32 @!p0 $0x1C02  }
0x76: {  	[timem:s3], [sflag:s2] =	dma.local @!p0 [hbm:s0], s1  }
0x77: {  	s0 =	simm.s32 @!p0 $0x2  }
0x78: {  	_ =	swait.ge @!p0 [sflag:s0], s1  }
0x79: {  	s1 =	ssub.s32 @!p0 $0x0, s1;
	[sflag:s0] =	ssyncset.done @!p0 $0x0  }
0x7a: {  	[sflag:s0] =	ssyncadd.s32 @!p0 s1  }
0x7b: {  	[bflag:$0x3] =	sbarrier.arrive $0xFFFF  }
0x7c: {  	_ =	shalt  }

</sc_bundles>
